<compile_context>
chip_gen: v7x
topology: tpu7x:2x2x1
jax: 0.10.2.dev20260603
libtpu: 0.0.44.dev20260713+nightly
codegen_flags: <defaults>
</compile_context>

<pallas_src>
import functools

import jax
import jax.numpy as jnp
import numpy as np
from jax.experimental import pallas as pl
from jax.experimental.pallas import tpu as pltpu

IN_CH = 4
OUT_CH = 64
T = 100
MAX_PILLARS = 12000
PX = 0.16
PY = 0.16
X_MIN, Y_MIN, Z_MIN, X_MAX, Y_MAX, Z_MAX = -40.0, -40.0, -3.0, 40.0, 40.0, 1.0
NX = int(round((X_MAX - X_MIN) / PX))
NY = int(round((Y_MAX - Y_MIN) / PY))
EPS = 1e-5
BIG = NX * NY

_INT_DT = jnp.asarray(np.zeros((), dtype=np.int64)).dtype

M = MAX_PILLARS * T
P_TILE = 20
R_TILE = P_TILE * T
N_TILES = MAX_PILLARS // P_TILE


def _row_mask(i, p_scalar, n, scale):
    idx = jax.lax.broadcasted_iota(jnp.int32, (n, 1), 0) + i * n
    return idx < p_scalar * scale


def _h1(q_ref, c2_ref, wq_ref, wc_ref):
    q = q_ref[0]
    h1 = jnp.dot(q, wq_ref[...], preferred_element_type=jnp.float32)
    rows = jax.lax.broadcasted_iota(jnp.int32, (R_TILE, P_TILE), 0) // T
    cols = jax.lax.broadcasted_iota(jnp.int32, (R_TILE, P_TILE), 1)
    expand = (rows == cols).astype(jnp.float32)
    cflat = jnp.dot(expand, c2_ref[0, 0], preferred_element_type=jnp.float32)
    h1 = h1 + jnp.dot(cflat, wc_ref[...], preferred_element_type=jnp.float32)
    return h1


def _pass1(q_ref, c2_ref, p_ref, wq_ref, wc_ref, sum_ref, sq_ref):
    i = pl.program_id(1)
    h1 = _h1(q_ref, c2_ref, wq_ref, wc_ref)
    mask = _row_mask(i, p_ref[pl.program_id(0), 0], R_TILE, T)
    hm = jnp.where(mask, h1, 0.0)
    s = jnp.sum(hm, axis=0, keepdims=True)
    s2 = jnp.sum(hm * h1, axis=0, keepdims=True)

    @pl.when(i == 0)
    def _():
        sum_ref[0] = s
        sq_ref[0] = s2

    @pl.when(i != 0)
    def _():
        sum_ref[0] += s
        sq_ref[0] += s2


def _pass2(q_ref, c2_ref, p_ref, wq_ref, wc_ref, s1_ref, t1_ref, w2_ref,
           sum_ref, sq_ref):
    i = pl.program_id(1)
    h1 = _h1(q_ref, c2_ref, wq_ref, wc_ref)
    g = jnp.maximum(h1 * s1_ref[0] + t1_ref[0], 0.0)
    h2 = jnp.dot(g, w2_ref[...], preferred_element_type=jnp.float32)
    mask = _row_mask(i, p_ref[pl.program_id(0), 0], R_TILE, T)
    hm = jnp.where(mask, h2, 0.0)
    s = jnp.sum(hm, axis=0, keepdims=True)
    s2 = jnp.sum(hm * h2, axis=0, keepdims=True)

    @pl.when(i == 0)
    def _():
        sum_ref[0] = s
        sq_ref[0] = s2

    @pl.when(i != 0)
    def _():
        sum_ref[0] += s
        sq_ref[0] += s2


def _pass3(q_ref, c2_ref, p_ref, wq_ref, wc_ref, s1_ref, t1_ref, w2_ref,
           s2s_ref, t2s_ref, out_ref):
    i = pl.program_id(1)
    h1 = _h1(q_ref, c2_ref, wq_ref, wc_ref)
    g = jnp.maximum(h1 * s1_ref[0] + t1_ref[0], 0.0)
    h2 = jnp.dot(g, w2_ref[...], preferred_element_type=jnp.float32)
    o = jnp.maximum(h2 * s2s_ref[0] + t2s_ref[0], 0.0)
    o3 = o.reshape(P_TILE, T, OUT_CH)
    feats = jnp.max(o3, axis=1)
    pmask = _row_mask(i, p_ref[pl.program_id(0), 0], P_TILE, 1)
    out_ref[0, 0] = jnp.where(pmask, feats, 0.0)


def _bin_one(pts):
    n = pts.shape[0]
    x, y, z = pts[:, 0], pts[:, 1], pts[:, 2]
    valid = ((x >= X_MIN) & (x < X_MAX)
             & (y >= Y_MIN) & (y < Y_MAX)
             & (z >= Z_MIN) & (z < Z_MAX))
    xi = jnp.clip(jnp.floor((x - X_MIN) / PX).astype(jnp.int32), 0, NX - 1)
    yi = jnp.clip(jnp.floor((y - Y_MIN) / PY).astype(jnp.int32), 0, NY - 1)
    pkey = jnp.where(valid, xi * NY + yi, BIG)
    skeys = jnp.sort(pkey)
    new = jnp.concatenate([jnp.ones((1,), dtype=bool), skeys[1:] != skeys[:-1]])
    new_valid = new & (skeys < BIG)
    ranks = jnp.cumsum(new_valid.astype(jnp.int32)) - 1
    p_cnt = jnp.minimum(ranks[-1] + 1, MAX_PILLARS)
    uk_idx = jnp.where(new_valid & (ranks < MAX_PILLARS), ranks, MAX_PILLARS)
    uk = jnp.zeros((MAX_PILLARS,), dtype=jnp.int32).at[uk_idx].set(
        skeys, mode='drop')
    inv = ranks[jnp.searchsorted(skeys, pkey, side='left')]
    keep = valid & (inv < MAX_PILLARS)
    sort_key = jnp.where(keep, inv, MAX_PILLARS)
    perm = jnp.argsort(sort_key, stable=True)
    s_inv = sort_key[perm]
    iota = jnp.arange(n, dtype=jnp.int32)
    new_g = jnp.concatenate([jnp.ones((1,), dtype=bool),
                             s_inv[1:] != s_inv[:-1]])
    starts = jax.lax.cummax(jnp.where(new_g, iota, 0))
    intra = iota - starts
    keep2 = (s_inv < MAX_PILLARS) & (intra < T)
    row = jnp.where(keep2, s_inv, MAX_PILLARS)
    slot = jnp.where(keep2, intra, T)
    sel = pts[perm]
    pillar = jnp.zeros((MAX_PILLARS, T, IN_CH), dtype=jnp.float32
                       ).at[row, slot].set(sel, mode='drop')
    return pillar.reshape(M, IN_CH), uk, p_cnt


def kernel(points, conv1_w, bn1_gamma, bn1_beta, conv2_w, bn2_gamma, bn2_beta):
    bsz = points.shape[0]
    q, uk, p_cnt = jax.vmap(_bin_one)(points)
    p_cnt = p_cnt.astype(jnp.int32)

    xi_u = (uk // NY).astype(jnp.float32)
    yi_u = (uk % NY).astype(jnp.float32)
    xc = xi_u * PX + X_MIN + PX / 2.0
    yc = yi_u * PY + Y_MIN + PY / 2.0
    c2 = jnp.stack([xc, yc], axis=-1).reshape(bsz, N_TILES, P_TILE, 2)

    w1 = conv1_w
    wq = jnp.concatenate([
        (w1[:, 0] + w1[:, 6])[:, None],
        (w1[:, 1] + w1[:, 7])[:, None],
        w1[:, 2][:, None],
        w1[:, 3][:, None],
    ], axis=1).T
    wc = jnp.stack([w1[:, 4] - w1[:, 6], w1[:, 5] - w1[:, 7]], axis=0)
    w2t = conv2_w.T

    p_in = p_cnt[:, None]
    count = jnp.maximum(p_cnt * T, 1).astype(jnp.float32)[:, None]

    grid = (bsz, N_TILES)
    q_spec = pl.BlockSpec((1, R_TILE, IN_CH), lambda b, i: (b, i, 0))
    c2_spec = pl.BlockSpec((1, 1, P_TILE, 2), lambda b, i: (b, i, 0, 0))
    p_spec = pl.BlockSpec((bsz, 1), lambda b, i: (0, 0),
                          memory_space=pltpu.SMEM)
    wq_spec = pl.BlockSpec((IN_CH, OUT_CH), lambda b, i: (0, 0))
    wc_spec = pl.BlockSpec((2, OUT_CH), lambda b, i: (0, 0))
    w2_spec = pl.BlockSpec((OUT_CH, OUT_CH), lambda b, i: (0, 0))
    vec_spec = pl.BlockSpec((1, 1, OUT_CH), lambda b, i: (b, 0, 0))
    sum_shape = jax.ShapeDtypeStruct((bsz, 1, OUT_CH), jnp.float32)

    s1_, q1_ = pl.pallas_call(
        _pass1,
        grid=grid,
        in_specs=[q_spec, c2_spec, p_spec, wq_spec, wc_spec],
        out_specs=[vec_spec, vec_spec],
        out_shape=[sum_shape, sum_shape],
    )(q, c2, p_in, wq, wc)

    mean1 = s1_[:, 0] / count
    var1 = jnp.maximum(q1_[:, 0] / count - mean1 * mean1, 0.0)
    sc1 = bn1_gamma[None, :] / jnp.sqrt(var1 + EPS)
    sh1 = bn1_beta[None, :] - mean1 * sc1

    s2_, q2_ = pl.pallas_call(
        _pass2,
        grid=grid,
        in_specs=[q_spec, c2_spec, p_spec, wq_spec, wc_spec,
                  vec_spec, vec_spec, w2_spec],
        out_specs=[vec_spec, vec_spec],
        out_shape=[sum_shape, sum_shape],
    )(q, c2, p_in, wq, wc, sc1[:, None], sh1[:, None], w2t)

    mean2 = s2_[:, 0] / count
    var2 = jnp.maximum(q2_[:, 0] / count - mean2 * mean2, 0.0)
    sc2 = bn2_gamma[None, :] / jnp.sqrt(var2 + EPS)
    sh2 = bn2_beta[None, :] - mean2 * sc2

    feats = pl.pallas_call(
        _pass3,
        grid=grid,
        in_specs=[q_spec, c2_spec, p_spec, wq_spec, wc_spec,
                  vec_spec, vec_spec, w2_spec, vec_spec, vec_spec],
        out_specs=pl.BlockSpec((1, 1, P_TILE, OUT_CH),
                               lambda b, i: (b, i, 0, 0)),
        out_shape=jax.ShapeDtypeStruct((bsz, N_TILES, P_TILE, OUT_CH),
                                       jnp.float32),
    )(q, c2, p_in, wq, wc, sc1[:, None], sh1[:, None], w2t, sc2[:, None], sh2[:, None])
    feats = feats.reshape(bsz, MAX_PILLARS, OUT_CH)

    col0 = jnp.broadcast_to(
        jnp.arange(bsz, dtype=_INT_DT)[:, None], (bsz, MAX_PILLARS))
    coords = jnp.stack(
        [col0, (uk // NY).astype(_INT_DT), (uk % NY).astype(_INT_DT)],
        axis=2)
    return feats, coords

# --- scband reference (transcript-rebuilt; emitter-appended) ---
"""Pipeline reference for scband-pillar-feature-net-81509889344182 (READ-ONLY COPY).

The authoritative reference and input builder live on the scoring server;
editing this copy changes nothing except your own understanding.
"""

import jax, jax.numpy as jnp
import numpy as np

IN_CH = 4
OUT_CH = 64
T = 100
MAX_PILLARS = 12000
PX = 0.16
PY = 0.16
X_MIN, Y_MIN, Z_MIN, X_MAX, Y_MAX, Z_MAX = -40.0, -40.0, -3.0, 40.0, 40.0, 1.0
NX = int(round((X_MAX - X_MIN) / PX))
NY = int(round((Y_MAX - Y_MIN) / PY))
EPS = 1e-5
B = 4
N = 200000

_INT_DT = jnp.asarray(np.zeros((), dtype=np.int64)).dtype


def _precompute(points):
    structs = []
    for b in range(points.shape[0]):
        pts = points[b]
        x, y, z = pts[:, 0], pts[:, 1], pts[:, 2]
        valid = ((x >= X_MIN) & (x < X_MAX)
                 & (y >= Y_MIN) & (y < Y_MAX)
                 & (z >= Z_MIN) & (z < Z_MAX))
        xi = jnp.clip(jnp.floor((x - X_MIN) / PX).astype(jnp.int32), 0, NX - 1)
        yi = jnp.clip(jnp.floor((y - Y_MIN) / PY).astype(jnp.int32), 0, NY - 1)
        big = NX * NY
        pkey = jnp.where(valid, xi * NY + yi, big)
        skeys = jnp.sort(pkey)
        new = jnp.concatenate([jnp.ones((1,), dtype=bool), skeys[1:] != skeys[:-1]])
        new_valid = new & (skeys < big)
        ranks = jnp.cumsum(new_valid.astype(jnp.int32)) - 1
        P = jnp.minimum(ranks[-1] + 1, MAX_PILLARS)
        uk_idx = jnp.where(new_valid & (ranks < MAX_PILLARS), ranks, MAX_PILLARS)
        uk = jnp.zeros((MAX_PILLARS,), dtype=jnp.int32).at[uk_idx].set(skeys, mode='drop')
        inv = ranks[jnp.searchsorted(skeys, pkey, side='left')]
        keep = valid & (inv < MAX_PILLARS)
        sort_key = jnp.where(keep, inv, MAX_PILLARS)
        perm = jnp.argsort(sort_key, stable=True)
        s_inv = sort_key[perm]
        iota = jnp.arange(pts.shape[0], dtype=jnp.int32)
        new_g = jnp.concatenate([jnp.ones((1,), dtype=bool), s_inv[1:] != s_inv[:-1]])
        starts = jax.lax.cummax(jnp.where(new_g, iota, 0))
        intra = iota - starts
        keep2 = (s_inv < MAX_PILLARS) & (intra < T)
        structs.append({'orig': perm,
                        'row': jnp.where(keep2, s_inv, MAX_PILLARS),
                        'slot': jnp.where(keep2, intra, T),
                        'uk': uk,
                        'P': P})
    return structs


def _bn_relu(h, gamma, beta, mask, count):
    mean = jnp.sum(h * mask, axis=(0, 1)) / count
    d = (h - mean) * mask
    var = jnp.sum(d * d, axis=(0, 1)) / count
    return jnp.maximum((h - mean) / jnp.sqrt(var + EPS) * gamma + beta, 0.0)


def _batch_feats(pts_b, s, conv1_w, bn1_g, bn1_b, conv2_w, bn2_g, bn2_b):
    sel = pts_b[s['orig']]
    pillar_pts = jnp.zeros((MAX_PILLARS, T, IN_CH), dtype=jnp.float32).at[s['row'], s['slot']].set(sel, mode='drop')
    xi_u = (s['uk'] // NY).astype(jnp.float32)
    yi_u = (s['uk'] % NY).astype(jnp.float32)
    xc = xi_u * PX + X_MIN + PX / 2.0
    yc = yi_u * PY + Y_MIN + PY / 2.0
    x_off = pillar_pts[:, :, 0] - xc[:, None]
    y_off = pillar_pts[:, :, 1] - yc[:, None]
    xc_t = jnp.broadcast_to(xc[:, None], (MAX_PILLARS, T))
    yc_t = jnp.broadcast_to(yc[:, None], (MAX_PILLARS, T))
    enhanced = jnp.stack([xc_t, yc_t, x_off, y_off], axis=2)
    pin = jnp.concatenate([pillar_pts, enhanced], axis=2)
    row_mask = jnp.arange(MAX_PILLARS) < s['P']
    mask = row_mask[:, None, None].astype(jnp.float32)
    count = jnp.maximum(s['P'] * T, 1).astype(jnp.float32)
    h = _bn_relu(pin @ conv1_w.T, bn1_g, bn1_b, mask, count)
    h = _bn_relu(h @ conv2_w.T, bn2_g, bn2_b, mask, count)
    feats = jnp.max(h, axis=1)
    return jnp.where(row_mask[:, None], feats, 0.0)


def _coords(structs):
    rows = []
    for b, s in enumerate(structs):
        col0 = jnp.full((MAX_PILLARS,), b, dtype=_INT_DT)
        col1 = (s['uk'] // NY).astype(_INT_DT)
        col2 = (s['uk'] % NY).astype(_INT_DT)
        rows.append(jnp.stack([col0, col1, col2], axis=1))
    return jnp.stack(rows, axis=0)


def setup_inputs(seed: int = 0):
    key = jax.random.key(seed)
    k1, k2, k3 = jax.random.split(key, 3)
    points = jax.random.normal(k1, (B, N, IN_CH), dtype=jnp.float32)
    conv1_w = jax.random.normal(k2, (OUT_CH, IN_CH + 4), dtype=jnp.float32) * 0.1
    conv2_w = jax.random.normal(k3, (OUT_CH, OUT_CH), dtype=jnp.float32) * 0.05
    return {'points': points,
            'conv1_w': conv1_w,
            'bn1_gamma': jnp.ones((OUT_CH,), dtype=jnp.float32),
            'bn1_beta': jnp.zeros((OUT_CH,), dtype=jnp.float32),
            'conv2_w': conv2_w,
            'bn2_gamma': jnp.ones((OUT_CH,), dtype=jnp.float32),
            'bn2_beta': jnp.zeros((OUT_CH,), dtype=jnp.float32)}


def reference(points, conv1_w, bn1_gamma, bn1_beta, conv2_w, bn2_gamma, bn2_beta):
    structs = _precompute(points)
    feats = jnp.stack([
        _batch_feats(points[b], structs[b], conv1_w, bn1_gamma, bn1_beta, conv2_w, bn2_gamma, bn2_beta)
        for b in range(points.shape[0])
    ], axis=0)
    coords = _coords(structs)
    return feats, coords

if __name__ == "__main__":
    import jax
    _d = setup_inputs()
    print(jax.jit(kernel)(*tuple(_d.values())))

</pallas_src>

<mosaic_0001>
module attributes {stable_mosaic.version = 14 : i64} {
  func.func @_pass1(%arg0: i32, %arg1: i32, %arg2: memref<1x2000x4xf32, #tpu.memory_space<vmem>>, %arg3: memref<1x1x20x2xf32, #tpu.memory_space<vmem>>, %arg4: memref<4x1xi32, #tpu.memory_space<smem>>, %arg5: memref<4x64xf32, #tpu.memory_space<vmem>>, %arg6: memref<2x64xf32, #tpu.memory_space<vmem>>, %arg7: memref<1x1x64xf32, #tpu.memory_space<vmem>>, %arg8: memref<1x1x64xf32, #tpu.memory_space<vmem>>) attributes {dimension_semantics = [#tpu.dimension_semantics<arbitrary>, #tpu.dimension_semantics<arbitrary>], iteration_bounds = array<i64: 4, 600>, scalar_prefetch = 0 : i64, scratch_operands = 0 : i64, tpu.core_type = #tpu.core_type<tc>, window_params = [{transform_indices = @transform_0, window_bounds = array<i64: 1, 2000, 4>}, {transform_indices = @transform_1, window_bounds = array<i64: 1, 1, 20, 2>}, {transform_indices = @transform_2, window_bounds = array<i64: 4, 1>}, {pipeline_mode = #tpu.pipeline_mode<synchronous>, transform_indices = @transform_3, window_bounds = array<i64: 4, 64>}, {pipeline_mode = #tpu.pipeline_mode<synchronous>, transform_indices = @transform_4, window_bounds = array<i64: 2, 64>}, {transform_indices = @transform_5, window_bounds = array<i64: 1, 1, 64>}, {transform_indices = @transform_6, window_bounds = array<i64: 1, 1, 64>}]} {
    %get3A = arith.constant 0 : index
    %get3A_0 = arith.constant 0 : index
    %get3A_1 = arith.constant 0 : index
    %get3A_2 = vector.load %arg2[%get3A, %get3A_0, %get3A_1] : memref<1x2000x4xf32, #tpu.memory_space<vmem>>, vector<1x2000x4xf32>
    %get3A_3 = vector.shape_cast %get3A_2 : vector<1x2000x4xf32> to vector<2000x4xf32>
    %get3A_4 = arith.constant 0 : index
    %get3A_5 = arith.constant 0 : index
    %get3A_6 = vector.load %arg5[%get3A_4, %get3A_5] : memref<4x64xf32, #tpu.memory_space<vmem>>, vector<4x64xf32>
    %dot_general3A = arith.constant dense<0.000000e+00> : vector<2000x64xf32>
    %dot_general3A_7 = tpu.matmul %get3A_3, %get3A_6, %dot_general3A {dimension_numbers = #tpu.dot_dimension_numbers<[1], [0], [0], [1], [0, 0, 1, 1], [], []>, transpose_lhs_hint = false} : vector<2000x4xf32>, vector<4x64xf32>, vector<2000x64xf32> -> vector<2000x64xf32>
    %iota3A = tpu.iota {dimensions = array<i32: 0>} : vector<2000x20xi32>
    %jit3A = arith.constant 100 : i32
    %div3A = vector.broadcast %jit3A : i32 to vector<2000x20xi32>
    %div3A_8 = arith.divsi %iota3A, %div3A : vector<2000x20xi32>
    %sign3A = arith.constant 0 : i32
    %sign3A_9 = vector.broadcast %sign3A : i32 to vector<2000x20xi32>
    %sign3A_10 = arith.cmpi sgt, %iota3A, %sign3A_9 : vector<2000x20xi32>
    %sign3A_11 = arith.extui %sign3A_10 : vector<2000x20xi1> to vector<2000x20xi32>
    %sign3A_12 = arith.constant 0 : i32
    %sign3A_13 = vector.broadcast %sign3A_12 : i32 to vector<2000x20xi32>
    %sign3A_14 = arith.cmpi slt, %iota3A, %sign3A_13 : vector<2000x20xi32>
    %sign3A_15 = arith.extui %sign3A_14 : vector<2000x20xi1> to vector<2000x20xi32>
    %sign3A_16 = arith.subi %sign3A_11, %sign3A_15 : vector<2000x20xi32>
    %sign3A_17 = arith.constant 0 : i32
    %sign3A_18 = arith.cmpi sgt, %jit3A, %sign3A_17 : i32
    %sign3A_19 = arith.extui %sign3A_18 : i1 to i32
    %sign3A_20 = arith.constant 0 : i32
    %sign3A_21 = arith.cmpi slt, %jit3A, %sign3A_20 : i32
    %sign3A_22 = arith.extui %sign3A_21 : i1 to i32
    %sign3A_23 = arith.subi %sign3A_19, %sign3A_22 : i32
    %ne3A = vector.broadcast %sign3A_23 : i32 to vector<2000x20xi32>
    %ne3A_24 = arith.cmpi ne, %sign3A_16, %ne3A : vector<2000x20xi32>
    %rem3A = vector.broadcast %jit3A : i32 to vector<2000x20xi32>
    %rem3A_25 = arith.remsi %iota3A, %rem3A : vector<2000x20xi32>
    %ne3A_26 = arith.constant 0 : i32
    %ne3A_27 = vector.broadcast %ne3A_26 : i32 to vector<2000x20xi32>
    %ne3A_28 = arith.cmpi ne, %rem3A_25, %ne3A_27 : vector<2000x20xi32>
    %and3A = arith.andi %ne3A_24, %ne3A_28 : vector<2000x20xi1>
    %sub3A = arith.constant 1 : i32
    %sub3A_29 = vector.broadcast %sub3A : i32 to vector<2000x20xi32>
    %sub3A_30 = arith.subi %div3A_8, %sub3A_29 : vector<2000x20xi32>
    %select_n3A = arith.select %and3A, %sub3A_30, %div3A_8 : vector<2000x20xi1>, vector<2000x20xi32>
    %iota3A_31 = tpu.iota {dimensions = array<i32: 1>} : vector<2000x20xi32>
    %eq3A = arith.cmpi eq, %select_n3A, %iota3A_31 : vector<2000x20xi32>
    %convert_element_type3A = arith.extui %eq3A : vector<2000x20xi1> to vector<2000x20xi32>
    %convert_element_type3A_32 = arith.sitofp %convert_element_type3A : vector<2000x20xi32> to vector<2000x20xf32>
    %get3A_33 = arith.constant 0 : index
    %get3A_34 = arith.constant 0 : index
    %get3A_35 = arith.constant 0 : index
    %get3A_36 = arith.constant 0 : index
    %get3A_37 = vector.load %arg3[%get3A_33, %get3A_34, %get3A_35, %get3A_36] : memref<1x1x20x2xf32, #tpu.memory_space<vmem>>, vector<1x1x20x2xf32>
    %get3A_38 = vector.shape_cast %get3A_37 : vector<1x1x20x2xf32> to vector<20x2xf32>
    %dot_general3A_39 = arith.constant dense<0.000000e+00> : vector<2000x2xf32>
    %dot_general3A_40 = tpu.matmul %convert_element_type3A_32, %get3A_38, %dot_general3A_39 {dimension_numbers = #tpu.dot_dimension_numbers<[1], [0], [0], [1], [0, 0, 1, 1], [], []>, transpose_lhs_hint = false} : vector<2000x20xf32>, vector<20x2xf32>, vector<2000x2xf32> -> vector<2000x2xf32>
    %get3A_41 = arith.constant 0 : index
    %get3A_42 = arith.constant 0 : index
    %get3A_43 = vector.load %arg6[%get3A_41, %get3A_42] : memref<2x64xf32, #tpu.memory_space<vmem>>, vector<2x64xf32>
    %dot_general3A_44 = arith.constant dense<0.000000e+00> : vector<2000x64xf32>
    %dot_general3A_45 = tpu.matmul %dot_general3A_40, %get3A_43, %dot_general3A_44 {dimension_numbers = #tpu.dot_dimension_numbers<[1], [0], [0], [1], [0, 0, 1, 1], [], []>, transpose_lhs_hint = false} : vector<2000x2xf32>, vector<2x64xf32>, vector<2000x64xf32> -> vector<2000x64xf32>
    %add3A = arith.addf %dot_general3A_7, %dot_general3A_45 : vector<2000x64xf32>
    %get3A_46 = arith.index_cast %arg0 : i32 to index
    %get3A_47 = arith.constant 0 : index
    %get3A_48 = memref.load %arg4[%get3A_46, %get3A_47] : memref<4x1xi32, #tpu.memory_space<smem>>
    %iota3A_49 = tpu.iota {dimensions = array<i32: 0>} : vector<2000x1xi32>
    %mul3A = arith.constant 2000 : i32
    %mul3A_50 = arith.muli %arg1, %mul3A : i32
    %add3A_51 = vector.broadcast %mul3A_50 : i32 to vector<2000x1xi32>
    %add3A_52 = arith.addi %iota3A_49, %add3A_51 : vector<2000x1xi32>
    %mul3A_53 = arith.constant 100 : i32
    %mul3A_54 = arith.muli %get3A_48, %mul3A_53 : i32
    %lt3A = vector.broadcast %mul3A_54 : i32 to vector<2000x1xi32>
    %lt3A_55 = arith.cmpi slt, %add3A_52, %lt3A : vector<2000x1xi32>
    %jit3A_56 = arith.constant 0.000000e+00 : f32
    %broadcast_in_dim3A = vector.shape_cast %lt3A_55 : vector<2000x1xi1> to vector<2000x1xi1>
    %broadcast_in_dim3A_57 = vector.broadcast %broadcast_in_dim3A : vector<2000x1xi1> to vector<2000x64xi1>
    %broadcast_in_dim3A_58 = vector.broadcast %jit3A_56 : f32 to vector<2000x64xf32>
    %select_n3A_59 = arith.select %broadcast_in_dim3A_57, %add3A, %broadcast_in_dim3A_58 : vector<2000x64xi1>, vector<2000x64xf32>
    %reduce_sum3A = arith.constant dense<0.000000e+00> : vector<64xf32>
    %reduce_sum3A_60 = vector.multi_reduction <add>, %select_n3A_59, %reduce_sum3A [0] : vector<2000x64xf32> to vector<64xf32>
    %broadcast_in_dim3A_61 = vector.shape_cast %reduce_sum3A_60 : vector<64xf32> to vector<1x64xf32>
    %mul3A_62 = arith.mulf %select_n3A_59, %add3A : vector<2000x64xf32>
    %reduce_sum3A_63 = arith.constant dense<0.000000e+00> : vector<64xf32>
    %reduce_sum3A_64 = vector.multi_reduction <add>, %mul3A_62, %reduce_sum3A_63 [0] : vector<2000x64xf32> to vector<64xf32>
    %broadcast_in_dim3A_65 = vector.shape_cast %reduce_sum3A_64 : vector<64xf32> to vector<1x64xf32>
    %eq3A_66 = arith.constant 0 : i32
    %eq3A_67 = arith.cmpi eq, %arg1, %eq3A_66 : i32
    %convert_element_type3A_68 = arith.extui %eq3A_67 : i1 to i32
    %cond3A = arith.constant 0 : i32
    %cond3A_69 = arith.cmpi ne, %convert_element_type3A_68, %cond3A : i32
    scf.if %cond3A_69 {
      %swap3A = arith.constant 0 : index
      %swap3A_75 = arith.constant 0 : index
      %swap3A_76 = arith.constant 0 : index
      %swap3A_77 = vector.load %arg7[%swap3A, %swap3A_75, %swap3A_76] : memref<1x1x64xf32, #tpu.memory_space<vmem>>, vector<1x1x64xf32>
      %swap3A_78 = vector.shape_cast %swap3A_77 : vector<1x1x64xf32> to vector<1x64xf32>
      %swap3A_79 = vector.shape_cast %broadcast_in_dim3A_61 : vector<1x64xf32> to vector<1x1x64xf32>
      tpu.vector_store %arg7[%swap3A, %swap3A_75, %swap3A_76], %swap3A_79 {strides = array<i32>} : memref<1x1x64xf32, #tpu.memory_space<vmem>>, vector<1x1x64xf32>,
      %swap3A_80 = arith.constant 0 : index
      %swap3A_81 = arith.constant 0 : index
      %swap3A_82 = arith.constant 0 : index
      %swap3A_83 = vector.load %arg8[%swap3A_80, %swap3A_81, %swap3A_82] : memref<1x1x64xf32, #tpu.memory_space<vmem>>, vector<1x1x64xf32>
      %swap3A_84 = vector.shape_cast %swap3A_83 : vector<1x1x64xf32> to vector<1x64xf32>
      %swap3A_85 = vector.shape_cast %broadcast_in_dim3A_65 : vector<1x64xf32> to vector<1x1x64xf32>
      tpu.vector_store %arg8[%swap3A_80, %swap3A_81, %swap3A_82], %swap3A_85 {strides = array<i32>} : memref<1x1x64xf32, #tpu.memory_space<vmem>>, vector<1x1x64xf32>,
    } else {
    }
    %ne3A_70 = arith.constant 0 : i32
    %ne3A_71 = arith.cmpi ne, %arg1, %ne3A_70 : i32
    %convert_element_type3A_72 = arith.extui %ne3A_71 : i1 to i32
    %cond3A_73 = arith.constant 0 : i32
    %cond3A_74 = arith.cmpi ne, %convert_element_type3A_72, %cond3A_73 : i32
    scf.if %cond3A_74 {
      %get3A_75 = arith.constant 0 : index
      %get3A_76 = arith.constant 0 : index
      %get3A_77 = arith.constant 0 : index
      %get3A_78 = vector.load %arg7[%get3A_75, %get3A_76, %get3A_77] : memref<1x1x64xf32, #tpu.memory_space<vmem>>, vector<1x1x64xf32>
      %get3A_79 = vector.shape_cast %get3A_78 : vector<1x1x64xf32> to vector<1x64xf32>
      %add3A_80 = arith.addf %get3A_79, %broadcast_in_dim3A_61 : vector<1x64xf32>
      %swap3A = arith.constant 0 : index
      %swap3A_81 = arith.constant 0 : index
      %swap3A_82 = arith.constant 0 : index
      %swap3A_83 = vector.load %arg7[%swap3A, %swap3A_81, %swap3A_82] : memref<1x1x64xf32, #tpu.memory_space<vmem>>, vector<1x1x64xf32>
      %swap3A_84 = vector.shape_cast %swap3A_83 : vector<1x1x64xf32> to vector<1x64xf32>
      %swap3A_85 = vector.shape_cast %add3A_80 : vector<1x64xf32> to vector<1x1x64xf32>
      tpu.vector_store %arg7[%swap3A, %swap3A_81, %swap3A_82], %swap3A_85 {strides = array<i32>} : memref<1x1x64xf32, #tpu.memory_space<vmem>>, vector<1x1x64xf32>,
      %get3A_86 = arith.constant 0 : index
      %get3A_87 = arith.constant 0 : index
      %get3A_88 = arith.constant 0 : index
      %get3A_89 = vector.load %arg8[%get3A_86, %get3A_87, %get3A_88] : memref<1x1x64xf32, #tpu.memory_space<vmem>>, vector<1x1x64xf32>
      %get3A_90 = vector.shape_cast %get3A_89 : vector<1x1x64xf32> to vector<1x64xf32>
      %add3A_91 = arith.addf %get3A_90, %broadcast_in_dim3A_65 : vector<1x64xf32>
      %swap3A_92 = arith.constant 0 : index
      %swap3A_93 = arith.constant 0 : index
      %swap3A_94 = arith.constant 0 : index
      %swap3A_95 = vector.load %arg8[%swap3A_92, %swap3A_93, %swap3A_94] : memref<1x1x64xf32, #tpu.memory_space<vmem>>, vector<1x1x64xf32>
      %swap3A_96 = vector.shape_cast %swap3A_95 : vector<1x1x64xf32> to vector<1x64xf32>
      %swap3A_97 = vector.shape_cast %add3A_91 : vector<1x64xf32> to vector<1x1x64xf32>
      tpu.vector_store %arg8[%swap3A_92, %swap3A_93, %swap3A_94], %swap3A_97 {strides = array<i32>} : memref<1x1x64xf32, #tpu.memory_space<vmem>>, vector<1x1x64xf32>,
    } else {
    }
    return
  }
  func.func @transform_0(%arg0: i32, %arg1: i32) -> (i32, i32, i32) {
    %c0_i32 = arith.constant 0 : i32
    %c0_i32_0 = arith.constant 0 : i32
    return %arg0, %arg1, %c0_i32 : i32, i32, i32
  }
  func.func @transform_1(%arg0: i32, %arg1: i32) -> (i32, i32, i32, i32) {
    %c0_i32 = arith.constant 0 : i32
    %c0_i32_0 = arith.constant 0 : i32
    %c0_i32_1 = arith.constant 0 : i32
    return %arg0, %arg1, %c0_i32, %c0_i32_0 : i32, i32, i32, i32
  }
  func.func @transform_2(%arg0: i32, %arg1: i32) -> (i32, i32) {
    %c0_i32 = arith.constant 0 : i32
    %c0_i32_0 = arith.constant 0 : i32
    %c0_i32_1 = arith.constant 0 : i32
    return %c0_i32, %c0_i32_0 : i32, i32
  }
  func.func @transform_3(%arg0: i32, %arg1: i32) -> (i32, i32) {
    %c0_i32 = arith.constant 0 : i32
    %c0_i32_0 = arith.constant 0 : i32
    %c0_i32_1 = arith.constant 0 : i32
    return %c0_i32, %c0_i32_0 : i32, i32
  }
  func.func @transform_4(%arg0: i32, %arg1: i32) -> (i32, i32) {
    %c0_i32 = arith.constant 0 : i32
    %c0_i32_0 = arith.constant 0 : i32
    %c0_i32_1 = arith.constant 0 : i32
    return %c0_i32, %c0_i32_0 : i32, i32
  }
  func.func @transform_5(%arg0: i32, %arg1: i32) -> (i32, i32, i32) {
    %c0_i32 = arith.constant 0 : i32
    %c0_i32_0 = arith.constant 0 : i32
    %c0_i32_1 = arith.constant 0 : i32
    return %arg0, %c0_i32, %c0_i32_0 : i32, i32, i32
  }
  func.func @transform_6(%arg0: i32, %arg1: i32) -> (i32, i32, i32) {
    %c0_i32 = arith.constant 0 : i32
    %c0_i32_0 = arith.constant 0 : i32
    %c0_i32_1 = arith.constant 0 : i32
    return %arg0, %c0_i32, %c0_i32_0 : i32, i32, i32
  }
}

module attributes {stable_mosaic.version = 14 : i64} {
  func.func @_pass2(%arg0: i32, %arg1: i32, %arg2: memref<1x2000x4xf32, #tpu.memory_space<vmem>>, %arg3: memref<1x1x20x2xf32, #tpu.memory_space<vmem>>, %arg4: memref<4x1xi32, #tpu.memory_space<smem>>, %arg5: memref<4x64xf32, #tpu.memory_space<vmem>>, %arg6: memref<2x64xf32, #tpu.memory_space<vmem>>, %arg7: memref<1x1x64xf32, #tpu.memory_space<vmem>>, %arg8: memref<1x1x64xf32, #tpu.memory_space<vmem>>, %arg9: memref<64x64xf32, #tpu.memory_space<vmem>>, %arg10: memref<1x1x64xf32, #tpu.memory_space<vmem>>, %arg11: memref<1x1x64xf32, #tpu.memory_space<vmem>>) attributes {dimension_semantics = [#tpu.dimension_semantics<arbitrary>, #tpu.dimension_semantics<arbitrary>], iteration_bounds = array<i64: 4, 600>, scalar_prefetch = 0 : i64, scratch_operands = 0 : i64, tpu.core_type = #tpu.core_type<tc>, window_params = [{transform_indices = @transform_0, window_bounds = array<i64: 1, 2000, 4>}, {transform_indices = @transform_1, window_bounds = array<i64: 1, 1, 20, 2>}, {transform_indices = @transform_2, window_bounds = array<i64: 4, 1>}, {pipeline_mode = #tpu.pipeline_mode<synchronous>, transform_indices = @transform_3, window_bounds = array<i64: 4, 64>}, {pipeline_mode = #tpu.pipeline_mode<synchronous>, transform_indices = @transform_4, window_bounds = array<i64: 2, 64>}, {transform_indices = @transform_5, window_bounds = array<i64: 1, 1, 64>}, {transform_indices = @transform_6, window_bounds = array<i64: 1, 1, 64>}, {pipeline_mode = #tpu.pipeline_mode<synchronous>, transform_indices = @transform_7, window_bounds = array<i64: 64, 64>}, {transform_indices = @transform_8, window_bounds = array<i64: 1, 1, 64>}, {transform_indices = @transform_9, window_bounds = array<i64: 1, 1, 64>}]} {
    %get3A = arith.constant 0 : index
    %get3A_0 = arith.constant 0 : index
    %get3A_1 = arith.constant 0 : index
    %get3A_2 = vector.load %arg2[%get3A, %get3A_0, %get3A_1] : memref<1x2000x4xf32, #tpu.memory_space<vmem>>, vector<1x2000x4xf32>
    %get3A_3 = vector.shape_cast %get3A_2 : vector<1x2000x4xf32> to vector<2000x4xf32>
    %get3A_4 = arith.constant 0 : index
    %get3A_5 = arith.constant 0 : index
    %get3A_6 = vector.load %arg5[%get3A_4, %get3A_5] : memref<4x64xf32, #tpu.memory_space<vmem>>, vector<4x64xf32>
    %dot_general3A = arith.constant dense<0.000000e+00> : vector<2000x64xf32>
    %dot_general3A_7 = tpu.matmul %get3A_3, %get3A_6, %dot_general3A {dimension_numbers = #tpu.dot_dimension_numbers<[1], [0], [0], [1], [0, 0, 1, 1], [], []>, transpose_lhs_hint = false} : vector<2000x4xf32>, vector<4x64xf32>, vector<2000x64xf32> -> vector<2000x64xf32>
    %iota3A = tpu.iota {dimensions = array<i32: 0>} : vector<2000x20xi32>
    %jit3A = arith.constant 100 : i32
    %div3A = vector.broadcast %jit3A : i32 to vector<2000x20xi32>
    %div3A_8 = arith.divsi %iota3A, %div3A : vector<2000x20xi32>
    %sign3A = arith.constant 0 : i32
    %sign3A_9 = vector.broadcast %sign3A : i32 to vector<2000x20xi32>
    %sign3A_10 = arith.cmpi sgt, %iota3A, %sign3A_9 : vector<2000x20xi32>
    %sign3A_11 = arith.extui %sign3A_10 : vector<2000x20xi1> to vector<2000x20xi32>
    %sign3A_12 = arith.constant 0 : i32
    %sign3A_13 = vector.broadcast %sign3A_12 : i32 to vector<2000x20xi32>
    %sign3A_14 = arith.cmpi slt, %iota3A, %sign3A_13 : vector<2000x20xi32>
    %sign3A_15 = arith.extui %sign3A_14 : vector<2000x20xi1> to vector<2000x20xi32>
    %sign3A_16 = arith.subi %sign3A_11, %sign3A_15 : vector<2000x20xi32>
    %sign3A_17 = arith.constant 0 : i32
    %sign3A_18 = arith.cmpi sgt, %jit3A, %sign3A_17 : i32
    %sign3A_19 = arith.extui %sign3A_18 : i1 to i32
    %sign3A_20 = arith.constant 0 : i32
    %sign3A_21 = arith.cmpi slt, %jit3A, %sign3A_20 : i32
    %sign3A_22 = arith.extui %sign3A_21 : i1 to i32
    %sign3A_23 = arith.subi %sign3A_19, %sign3A_22 : i32
    %ne3A = vector.broadcast %sign3A_23 : i32 to vector<2000x20xi32>
    %ne3A_24 = arith.cmpi ne, %sign3A_16, %ne3A : vector<2000x20xi32>
    %rem3A = vector.broadcast %jit3A : i32 to vector<2000x20xi32>
    %rem3A_25 = arith.remsi %iota3A, %rem3A : vector<2000x20xi32>
    %ne3A_26 = arith.constant 0 : i32
    %ne3A_27 = vector.broadcast %ne3A_26 : i32 to vector<2000x20xi32>
    %ne3A_28 = arith.cmpi ne, %rem3A_25, %ne3A_27 : vector<2000x20xi32>
    %and3A = arith.andi %ne3A_24, %ne3A_28 : vector<2000x20xi1>
    %sub3A = arith.constant 1 : i32
    %sub3A_29 = vector.broadcast %sub3A : i32 to vector<2000x20xi32>
    %sub3A_30 = arith.subi %div3A_8, %sub3A_29 : vector<2000x20xi32>
    %select_n3A = arith.select %and3A, %sub3A_30, %div3A_8 : vector<2000x20xi1>, vector<2000x20xi32>
    %iota3A_31 = tpu.iota {dimensions = array<i32: 1>} : vector<2000x20xi32>
    %eq3A = arith.cmpi eq, %select_n3A, %iota3A_31 : vector<2000x20xi32>
    %convert_element_type3A = arith.extui %eq3A : vector<2000x20xi1> to vector<2000x20xi32>
    %convert_element_type3A_32 = arith.sitofp %convert_element_type3A : vector<2000x20xi32> to vector<2000x20xf32>
    %get3A_33 = arith.constant 0 : index
    %get3A_34 = arith.constant 0 : index
    %get3A_35 = arith.constant 0 : index
    %get3A_36 = arith.constant 0 : index
    %get3A_37 = vector.load %arg3[%get3A_33, %get3A_34, %get3A_35, %get3A_36] : memref<1x1x20x2xf32, #tpu.memory_space<vmem>>, vector<1x1x20x2xf32>
    %get3A_38 = vector.shape_cast %get3A_37 : vector<1x1x20x2xf32> to vector<20x2xf32>
    %dot_general3A_39 = arith.constant dense<0.000000e+00> : vector<2000x2xf32>
    %dot_general3A_40 = tpu.matmul %convert_element_type3A_32, %get3A_38, %dot_general3A_39 {dimension_numbers = #tpu.dot_dimension_numbers<[1], [0], [0], [1], [0, 0, 1, 1], [], []>, transpose_lhs_hint = false} : vector<2000x20xf32>, vector<20x2xf32>, vector<2000x2xf32> -> vector<2000x2xf32>
    %get3A_41 = arith.constant 0 : index
    %get3A_42 = arith.constant 0 : index
    %get3A_43 = vector.load %arg6[%get3A_41, %get3A_42] : memref<2x64xf32, #tpu.memory_space<vmem>>, vector<2x64xf32>
    %dot_general3A_44 = arith.constant dense<0.000000e+00> : vector<2000x64xf32>
    %dot_general3A_45 = tpu.matmul %dot_general3A_40, %get3A_43, %dot_general3A_44 {dimension_numbers = #tpu.dot_dimension_numbers<[1], [0], [0], [1], [0, 0, 1, 1], [], []>, transpose_lhs_hint = false} : vector<2000x2xf32>, vector<2x64xf32>, vector<2000x64xf32> -> vector<2000x64xf32>
    %add3A = arith.addf %dot_general3A_7, %dot_general3A_45 : vector<2000x64xf32>
    %get3A_46 = arith.constant 0 : index
    %get3A_47 = arith.constant 0 : index
    %get3A_48 = arith.constant 0 : index
    %get3A_49 = vector.load %arg7[%get3A_46, %get3A_47, %get3A_48] : memref<1x1x64xf32, #tpu.memory_space<vmem>>, vector<1x1x64xf32>
    %get3A_50 = vector.shape_cast %get3A_49 : vector<1x1x64xf32> to vector<1x64xf32>
    %mul3A = vector.broadcast %get3A_50 : vector<1x64xf32> to vector<2000x64xf32>
    %mul3A_51 = arith.mulf %add3A, %mul3A : vector<2000x64xf32>
    %get3A_52 = arith.constant 0 : index
    %get3A_53 = arith.constant 0 : index
    %get3A_54 = arith.constant 0 : index
    %get3A_55 = vector.load %arg8[%get3A_52, %get3A_53, %get3A_54] : memref<1x1x64xf32, #tpu.memory_space<vmem>>, vector<1x1x64xf32>
    %get3A_56 = vector.shape_cast %get3A_55 : vector<1x1x64xf32> to vector<1x64xf32>
    %add3A_57 = vector.broadcast %get3A_56 : vector<1x64xf32> to vector<2000x64xf32>
    %add3A_58 = arith.addf %mul3A_51, %add3A_57 : vector<2000x64xf32>
    %max3A = arith.constant 0.000000e+00 : f32
    %max3A_59 = vector.broadcast %max3A : f32 to vector<2000x64xf32>
    %max3A_60 = arith.maximumf %add3A_58, %max3A_59 : vector<2000x64xf32>
    %get3A_61 = arith.constant 0 : index
    %get3A_62 = arith.constant 0 : index
    %get3A_63 = vector.load %arg9[%get3A_61, %get3A_62] : memref<64x64xf32, #tpu.memory_space<vmem>>, vector<64x64xf32>
    %dot_general3A_64 = arith.constant dense<0.000000e+00> : vector<2000x64xf32>
    %dot_general3A_65 = tpu.matmul %max3A_60, %get3A_63, %dot_general3A_64 {dimension_numbers = #tpu.dot_dimension_numbers<[1], [0], [0], [1], [0, 0, 1, 1], [], []>, transpose_lhs_hint = false} : vector<2000x64xf32>, vector<64x64xf32>, vector<2000x64xf32> -> vector<2000x64xf32>
    %get3A_66 = arith.index_cast %arg0 : i32 to index
    %get3A_67 = arith.constant 0 : index
    %get3A_68 = memref.load %arg4[%get3A_66, %get3A_67] : memref<4x1xi32, #tpu.memory_space<smem>>
    %iota3A_69 = tpu.iota {dimensions = array<i32: 0>} : vector<2000x1xi32>
    %mul3A_70 = arith.constant 2000 : i32
    %mul3A_71 = arith.muli %arg1, %mul3A_70 : i32
    %add3A_72 = vector.broadcast %mul3A_71 : i32 to vector<2000x1xi32>
    %add3A_73 = arith.addi %iota3A_69, %add3A_72 : vector<2000x1xi32>
    %mul3A_74 = arith.constant 100 : i32
    %mul3A_75 = arith.muli %get3A_68, %mul3A_74 : i32
    %lt3A = vector.broadcast %mul3A_75 : i32 to vector<2000x1xi32>
    %lt3A_76 = arith.cmpi slt, %add3A_73, %lt3A : vector<2000x1xi32>
    %jit3A_77 = arith.constant 0.000000e+00 : f32
    %broadcast_in_dim3A = vector.shape_cast %lt3A_76 : vector<2000x1xi1> to vector<2000x1xi1>
    %broadcast_in_dim3A_78 = vector.broadcast %broadcast_in_dim3A : vector<2000x1xi1> to vector<2000x64xi1>
    %broadcast_in_dim3A_79 = vector.broadcast %jit3A_77 : f32 to vector<2000x64xf32>
    %select_n3A_80 = arith.select %broadcast_in_dim3A_78, %dot_general3A_65, %broadcast_in_dim3A_79 : vector<2000x64xi1>, vector<2000x64xf32>
    %reduce_sum3A = arith.constant dense<0.000000e+00> : vector<64xf32>
    %reduce_sum3A_81 = vector.multi_reduction <add>, %select_n3A_80, %reduce_sum3A [0] : vector<2000x64xf32> to vector<64xf32>
    %broadcast_in_dim3A_82 = vector.shape_cast %reduce_sum3A_81 : vector<64xf32> to vector<1x64xf32>
    %mul3A_83 = arith.mulf %select_n3A_80, %dot_general3A_65 : vector<2000x64xf32>
    %reduce_sum3A_84 = arith.constant dense<0.000000e+00> : vector<64xf32>
    %reduce_sum3A_85 = vector.multi_reduction <add>, %mul3A_83, %reduce_sum3A_84 [0] : vector<2000x64xf32> to vector<64xf32>
    %broadcast_in_dim3A_86 = vector.shape_cast %reduce_sum3A_85 : vector<64xf32> to vector<1x64xf32>
    %eq3A_87 = arith.constant 0 : i32
    %eq3A_88 = arith.cmpi eq, %arg1, %eq3A_87 : i32
    %convert_element_type3A_89 = arith.extui %eq3A_88 : i1 to i32
    %cond3A = arith.constant 0 : i32
    %cond3A_90 = arith.cmpi ne, %convert_element_type3A_89, %cond3A : i32
    scf.if %cond3A_90 {
      %swap3A = arith.constant 0 : index
      %swap3A_96 = arith.constant 0 : index
      %swap3A_97 = arith.constant 0 : index
      %swap3A_98 = vector.load %arg10[%swap3A, %swap3A_96, %swap3A_97] : memref<1x1x64xf32, #tpu.memory_space<vmem>>, vector<1x1x64xf32>
      %swap3A_99 = vector.shape_cast %swap3A_98 : vector<1x1x64xf32> to vector<1x64xf32>
      %swap3A_100 = vector.shape_cast %broadcast_in_dim3A_82 : vector<1x64xf32> to vector<1x1x64xf32>
      tpu.vector_store %arg10[%swap3A, %swap3A_96, %swap3A_97], %swap3A_100 {strides = array<i32>} : memref<1x1x64xf32, #tpu.memory_space<vmem>>, vector<1x1x64xf32>,
      %swap3A_101 = arith.constant 0 : index
      %swap3A_102 = arith.constant 0 : index
      %swap3A_103 = arith.constant 0 : index
      %swap3A_104 = vector.load %arg11[%swap3A_101, %swap3A_102, %swap3A_103] : memref<1x1x64xf32, #tpu.memory_space<vmem>>, vector<1x1x64xf32>
      %swap3A_105 = vector.shape_cast %swap3A_104 : vector<1x1x64xf32> to vector<1x64xf32>
      %swap3A_106 = vector.shape_cast %broadcast_in_dim3A_86 : vector<1x64xf32> to vector<1x1x64xf32>
      tpu.vector_store %arg11[%swap3A_101, %swap3A_102, %swap3A_103], %swap3A_106 {strides = array<i32>} : memref<1x1x64xf32, #tpu.memory_space<vmem>>, vector<1x1x64xf32>,
    } else {
    }
    %ne3A_91 = arith.constant 0 : i32
    %ne3A_92 = arith.cmpi ne, %arg1, %ne3A_91 : i32
    %convert_element_type3A_93 = arith.extui %ne3A_92 : i1 to i32
    %cond3A_94 = arith.constant 0 : i32
    %cond3A_95 = arith.cmpi ne, %convert_element_type3A_93, %cond3A_94 : i32
    scf.if %cond3A_95 {
      %get3A_96 = arith.constant 0 : index
      %get3A_97 = arith.constant 0 : index
      %get3A_98 = arith.constant 0 : index
      %get3A_99 = vector.load %arg10[%get3A_96, %get3A_97, %get3A_98] : memref<1x1x64xf32, #tpu.memory_space<vmem>>, vector<1x1x64xf32>
      %get3A_100 = vector.shape_cast %get3A_99 : vector<1x1x64xf32> to vector<1x64xf32>
      %add3A_101 = arith.addf %get3A_100, %broadcast_in_dim3A_82 : vector<1x64xf32>
      %swap3A = arith.constant 0 : index
      %swap3A_102 = arith.constant 0 : index
      %swap3A_103 = arith.constant 0 : index
      %swap3A_104 = vector.load %arg10[%swap3A, %swap3A_102, %swap3A_103] : memref<1x1x64xf32, #tpu.memory_space<vmem>>, vector<1x1x64xf32>
      %swap3A_105 = vector.shape_cast %swap3A_104 : vector<1x1x64xf32> to vector<1x64xf32>
      %swap3A_106 = vector.shape_cast %add3A_101 : vector<1x64xf32> to vector<1x1x64xf32>
      tpu.vector_store %arg10[%swap3A, %swap3A_102, %swap3A_103], %swap3A_106 {strides = array<i32>} : memref<1x1x64xf32, #tpu.memory_space<vmem>>, vector<1x1x64xf32>,
      %get3A_107 = arith.constant 0 : index
      %get3A_108 = arith.constant 0 : index
      %get3A_109 = arith.constant 0 : index
      %get3A_110 = vector.load %arg11[%get3A_107, %get3A_108, %get3A_109] : memref<1x1x64xf32, #tpu.memory_space<vmem>>, vector<1x1x64xf32>
      %get3A_111 = vector.shape_cast %get3A_110 : vector<1x1x64xf32> to vector<1x64xf32>
      %add3A_112 = arith.addf %get3A_111, %broadcast_in_dim3A_86 : vector<1x64xf32>
      %swap3A_113 = arith.constant 0 : index
      %swap3A_114 = arith.constant 0 : index
      %swap3A_115 = arith.constant 0 : index
      %swap3A_116 = vector.load %arg11[%swap3A_113, %swap3A_114, %swap3A_115] : memref<1x1x64xf32, #tpu.memory_space<vmem>>, vector<1x1x64xf32>
      %swap3A_117 = vector.shape_cast %swap3A_116 : vector<1x1x64xf32> to vector<1x64xf32>
      %swap3A_118 = vector.shape_cast %add3A_112 : vector<1x64xf32> to vector<1x1x64xf32>
      tpu.vector_store %arg11[%swap3A_113, %swap3A_114, %swap3A_115], %swap3A_118 {strides = array<i32>} : memref<1x1x64xf32, #tpu.memory_space<vmem>>, vector<1x1x64xf32>,
    } else {
    }
    return
  }
  func.func @transform_0(%arg0: i32, %arg1: i32) -> (i32, i32, i32) {
    %c0_i32 = arith.constant 0 : i32
    %c0_i32_0 = arith.constant 0 : i32
    return %arg0, %arg1, %c0_i32 : i32, i32, i32
  }
  func.func @transform_1(%arg0: i32, %arg1: i32) -> (i32, i32, i32, i32) {
    %c0_i32 = arith.constant 0 : i32
    %c0_i32_0 = arith.constant 0 : i32
    %c0_i32_1 = arith.constant 0 : i32
    return %arg0, %arg1, %c0_i32, %c0_i32_0 : i32, i32, i32, i32
  }
  func.func @transform_2(%arg0: i32, %arg1: i32) -> (i32, i32) {
    %c0_i32 = arith.constant 0 : i32
    %c0_i32_0 = arith.constant 0 : i32
    %c0_i32_1 = arith.constant 0 : i32
    return %c0_i32, %c0_i32_0 : i32, i32
  }
  func.func @transform_3(%arg0: i32, %arg1: i32) -> (i32, i32) {
    %c0_i32 = arith.constant 0 : i32
    %c0_i32_0 = arith.constant 0 : i32
    %c0_i32_1 = arith.constant 0 : i32
    return %c0_i32, %c0_i32_0 : i32, i32
  }
  func.func @transform_4(%arg0: i32, %arg1: i32) -> (i32, i32) {
    %c0_i32 = arith.constant 0 : i32
    %c0_i32_0 = arith.constant 0 : i32
    %c0_i32_1 = arith.constant 0 : i32
    return %c0_i32, %c0_i32_0 : i32, i32
  }
  func.func @transform_5(%arg0: i32, %arg1: i32) -> (i32, i32, i32) {
    %c0_i32 = arith.constant 0 : i32
    %c0_i32_0 = arith.constant 0 : i32
    %c0_i32_1 = arith.constant 0 : i32
    return %arg0, %c0_i32, %c0_i32_0 : i32, i32, i32
  }
  func.func @transform_6(%arg0: i32, %arg1: i32) -> (i32, i32, i32) {
    %c0_i32 = arith.constant 0 : i32
    %c0_i32_0 = arith.constant 0 : i32
    %c0_i32_1 = arith.constant 0 : i32
    return %arg0, %c0_i32, %c0_i32_0 : i32, i32, i32
  }
  func.func @transform_7(%arg0: i32, %arg1: i32) -> (i32, i32) {
    %c0_i32 = arith.constant 0 : i32
    %c0_i32_0 = arith.constant 0 : i32
    %c0_i32_1 = arith.constant 0 : i32
    return %c0_i32, %c0_i32_0 : i32, i32
  }
  func.func @transform_8(%arg0: i32, %arg1: i32) -> (i32, i32, i32) {
    %c0_i32 = arith.constant 0 : i32
    %c0_i32_0 = arith.constant 0 : i32
    %c0_i32_1 = arith.constant 0 : i32
    return %arg0, %c0_i32, %c0_i32_0 : i32, i32, i32
  }
  func.func @transform_9(%arg0: i32, %arg1: i32) -> (i32, i32, i32) {
    %c0_i32 = arith.constant 0 : i32
    %c0_i32_0 = arith.constant 0 : i32
    %c0_i32_1 = arith.constant 0 : i32
    return %arg0, %c0_i32, %c0_i32_0 : i32, i32, i32
  }
}

module attributes {stable_mosaic.version = 14 : i64} {
  func.func @_pass3(%arg0: i32, %arg1: i32, %arg2: memref<1x2000x4xf32, #tpu.memory_space<vmem>>, %arg3: memref<1x1x20x2xf32, #tpu.memory_space<vmem>>, %arg4: memref<4x1xi32, #tpu.memory_space<smem>>, %arg5: memref<4x64xf32, #tpu.memory_space<vmem>>, %arg6: memref<2x64xf32, #tpu.memory_space<vmem>>, %arg7: memref<1x1x64xf32, #tpu.memory_space<vmem>>, %arg8: memref<1x1x64xf32, #tpu.memory_space<vmem>>, %arg9: memref<64x64xf32, #tpu.memory_space<vmem>>, %arg10: memref<1x1x64xf32, #tpu.memory_space<vmem>>, %arg11: memref<1x1x64xf32, #tpu.memory_space<vmem>>, %arg12: memref<1x1x20x64xf32, #tpu.memory_space<vmem>>) attributes {dimension_semantics = [#tpu.dimension_semantics<arbitrary>, #tpu.dimension_semantics<arbitrary>], iteration_bounds = array<i64: 4, 600>, scalar_prefetch = 0 : i64, scratch_operands = 0 : i64, tpu.core_type = #tpu.core_type<tc>, window_params = [{transform_indices = @transform_0, window_bounds = array<i64: 1, 2000, 4>}, {transform_indices = @transform_1, window_bounds = array<i64: 1, 1, 20, 2>}, {transform_indices = @transform_2, window_bounds = array<i64: 4, 1>}, {pipeline_mode = #tpu.pipeline_mode<synchronous>, transform_indices = @transform_3, window_bounds = array<i64: 4, 64>}, {pipeline_mode = #tpu.pipeline_mode<synchronous>, transform_indices = @transform_4, window_bounds = array<i64: 2, 64>}, {transform_indices = @transform_5, window_bounds = array<i64: 1, 1, 64>}, {transform_indices = @transform_6, window_bounds = array<i64: 1, 1, 64>}, {pipeline_mode = #tpu.pipeline_mode<synchronous>, transform_indices = @transform_7, window_bounds = array<i64: 64, 64>}, {transform_indices = @transform_8, window_bounds = array<i64: 1, 1, 64>}, {transform_indices = @transform_9, window_bounds = array<i64: 1, 1, 64>}, {transform_indices = @transform_10, window_bounds = array<i64: 1, 1, 20, 64>}]} {
    %get3A = arith.constant 0 : index
    %get3A_0 = arith.constant 0 : index
    %get3A_1 = arith.constant 0 : index
    %get3A_2 = vector.load %arg2[%get3A, %get3A_0, %get3A_1] : memref<1x2000x4xf32, #tpu.memory_space<vmem>>, vector<1x2000x4xf32>
    %get3A_3 = vector.shape_cast %get3A_2 : vector<1x2000x4xf32> to vector<2000x4xf32>
    %get3A_4 = arith.constant 0 : index
    %get3A_5 = arith.constant 0 : index
    %get3A_6 = vector.load %arg5[%get3A_4, %get3A_5] : memref<4x64xf32, #tpu.memory_space<vmem>>, vector<4x64xf32>
    %dot_general3A = arith.constant dense<0.000000e+00> : vector<2000x64xf32>
    %dot_general3A_7 = tpu.matmul %get3A_3, %get3A_6, %dot_general3A {dimension_numbers = #tpu.dot_dimension_numbers<[1], [0], [0], [1], [0, 0, 1, 1], [], []>, transpose_lhs_hint = false} : vector<2000x4xf32>, vector<4x64xf32>, vector<2000x64xf32> -> vector<2000x64xf32>
    %iota3A = tpu.iota {dimensions = array<i32: 0>} : vector<2000x20xi32>
    %jit3A = arith.constant 100 : i32
    %div3A = vector.broadcast %jit3A : i32 to vector<2000x20xi32>
    %div3A_8 = arith.divsi %iota3A, %div3A : vector<2000x20xi32>
    %sign3A = arith.constant 0 : i32
    %sign3A_9 = vector.broadcast %sign3A : i32 to vector<2000x20xi32>
    %sign3A_10 = arith.cmpi sgt, %iota3A, %sign3A_9 : vector<2000x20xi32>
    %sign3A_11 = arith.extui %sign3A_10 : vector<2000x20xi1> to vector<2000x20xi32>
    %sign3A_12 = arith.constant 0 : i32
    %sign3A_13 = vector.broadcast %sign3A_12 : i32 to vector<2000x20xi32>
    %sign3A_14 = arith.cmpi slt, %iota3A, %sign3A_13 : vector<2000x20xi32>
    %sign3A_15 = arith.extui %sign3A_14 : vector<2000x20xi1> to vector<2000x20xi32>
    %sign3A_16 = arith.subi %sign3A_11, %sign3A_15 : vector<2000x20xi32>
    %sign3A_17 = arith.constant 0 : i32
    %sign3A_18 = arith.cmpi sgt, %jit3A, %sign3A_17 : i32
    %sign3A_19 = arith.extui %sign3A_18 : i1 to i32
    %sign3A_20 = arith.constant 0 : i32
    %sign3A_21 = arith.cmpi slt, %jit3A, %sign3A_20 : i32
    %sign3A_22 = arith.extui %sign3A_21 : i1 to i32
    %sign3A_23 = arith.subi %sign3A_19, %sign3A_22 : i32
    %ne3A = vector.broadcast %sign3A_23 : i32 to vector<2000x20xi32>
    %ne3A_24 = arith.cmpi ne, %sign3A_16, %ne3A : vector<2000x20xi32>
    %rem3A = vector.broadcast %jit3A : i32 to vector<2000x20xi32>
    %rem3A_25 = arith.remsi %iota3A, %rem3A : vector<2000x20xi32>
    %ne3A_26 = arith.constant 0 : i32
    %ne3A_27 = vector.broadcast %ne3A_26 : i32 to vector<2000x20xi32>
    %ne3A_28 = arith.cmpi ne, %rem3A_25, %ne3A_27 : vector<2000x20xi32>
    %and3A = arith.andi %ne3A_24, %ne3A_28 : vector<2000x20xi1>
    %sub3A = arith.constant 1 : i32
    %sub3A_29 = vector.broadcast %sub3A : i32 to vector<2000x20xi32>
    %sub3A_30 = arith.subi %div3A_8, %sub3A_29 : vector<2000x20xi32>
    %select_n3A = arith.select %and3A, %sub3A_30, %div3A_8 : vector<2000x20xi1>, vector<2000x20xi32>
    %iota3A_31 = tpu.iota {dimensions = array<i32: 1>} : vector<2000x20xi32>
    %eq3A = arith.cmpi eq, %select_n3A, %iota3A_31 : vector<2000x20xi32>
    %convert_element_type3A = arith.extui %eq3A : vector<2000x20xi1> to vector<2000x20xi32>
    %convert_element_type3A_32 = arith.sitofp %convert_element_type3A : vector<2000x20xi32> to vector<2000x20xf32>
    %get3A_33 = arith.constant 0 : index
    %get3A_34 = arith.constant 0 : index
    %get3A_35 = arith.constant 0 : index
    %get3A_36 = arith.constant 0 : index
    %get3A_37 = vector.load %arg3[%get3A_33, %get3A_34, %get3A_35, %get3A_36] : memref<1x1x20x2xf32, #tpu.memory_space<vmem>>, vector<1x1x20x2xf32>
    %get3A_38 = vector.shape_cast %get3A_37 : vector<1x1x20x2xf32> to vector<20x2xf32>
    %dot_general3A_39 = arith.constant dense<0.000000e+00> : vector<2000x2xf32>
    %dot_general3A_40 = tpu.matmul %convert_element_type3A_32, %get3A_38, %dot_general3A_39 {dimension_numbers = #tpu.dot_dimension_numbers<[1], [0], [0], [1], [0, 0, 1, 1], [], []>, transpose_lhs_hint = false} : vector<2000x20xf32>, vector<20x2xf32>, vector<2000x2xf32> -> vector<2000x2xf32>
    %get3A_41 = arith.constant 0 : index
    %get3A_42 = arith.constant 0 : index
    %get3A_43 = vector.load %arg6[%get3A_41, %get3A_42] : memref<2x64xf32, #tpu.memory_space<vmem>>, vector<2x64xf32>
    %dot_general3A_44 = arith.constant dense<0.000000e+00> : vector<2000x64xf32>
    %dot_general3A_45 = tpu.matmul %dot_general3A_40, %get3A_43, %dot_general3A_44 {dimension_numbers = #tpu.dot_dimension_numbers<[1], [0], [0], [1], [0, 0, 1, 1], [], []>, transpose_lhs_hint = false} : vector<2000x2xf32>, vector<2x64xf32>, vector<2000x64xf32> -> vector<2000x64xf32>
    %add3A = arith.addf %dot_general3A_7, %dot_general3A_45 : vector<2000x64xf32>
    %get3A_46 = arith.constant 0 : index
    %get3A_47 = arith.constant 0 : index
    %get3A_48 = arith.constant 0 : index
    %get3A_49 = vector.load %arg7[%get3A_46, %get3A_47, %get3A_48] : memref<1x1x64xf32, #tpu.memory_space<vmem>>, vector<1x1x64xf32>
    %get3A_50 = vector.shape_cast %get3A_49 : vector<1x1x64xf32> to vector<1x64xf32>
    %mul3A = vector.broadcast %get3A_50 : vector<1x64xf32> to vector<2000x64xf32>
    %mul3A_51 = arith.mulf %add3A, %mul3A : vector<2000x64xf32>
    %get3A_52 = arith.constant 0 : index
    %get3A_53 = arith.constant 0 : index
    %get3A_54 = arith.constant 0 : index
    %get3A_55 = vector.load %arg8[%get3A_52, %get3A_53, %get3A_54] : memref<1x1x64xf32, #tpu.memory_space<vmem>>, vector<1x1x64xf32>
    %get3A_56 = vector.shape_cast %get3A_55 : vector<1x1x64xf32> to vector<1x64xf32>
    %add3A_57 = vector.broadcast %get3A_56 : vector<1x64xf32> to vector<2000x64xf32>
    %add3A_58 = arith.addf %mul3A_51, %add3A_57 : vector<2000x64xf32>
    %max3A = arith.constant 0.000000e+00 : f32
    %max3A_59 = vector.broadcast %max3A : f32 to vector<2000x64xf32>
    %max3A_60 = arith.maximumf %add3A_58, %max3A_59 : vector<2000x64xf32>
    %get3A_61 = arith.constant 0 : index
    %get3A_62 = arith.constant 0 : index
    %get3A_63 = vector.load %arg9[%get3A_61, %get3A_62] : memref<64x64xf32, #tpu.memory_space<vmem>>, vector<64x64xf32>
    %dot_general3A_64 = arith.constant dense<0.000000e+00> : vector<2000x64xf32>
    %dot_general3A_65 = tpu.matmul %max3A_60, %get3A_63, %dot_general3A_64 {dimension_numbers = #tpu.dot_dimension_numbers<[1], [0], [0], [1], [0, 0, 1, 1], [], []>, transpose_lhs_hint = false} : vector<2000x64xf32>, vector<64x64xf32>, vector<2000x64xf32> -> vector<2000x64xf32>
    %get3A_66 = arith.constant 0 : index
    %get3A_67 = arith.constant 0 : index
    %get3A_68 = arith.constant 0 : index
    %get3A_69 = vector.load %arg10[%get3A_66, %get3A_67, %get3A_68] : memref<1x1x64xf32, #tpu.memory_space<vmem>>, vector<1x1x64xf32>
    %get3A_70 = vector.shape_cast %get3A_69 : vector<1x1x64xf32> to vector<1x64xf32>
    %mul3A_71 = vector.broadcast %get3A_70 : vector<1x64xf32> to vector<2000x64xf32>
    %mul3A_72 = arith.mulf %dot_general3A_65, %mul3A_71 : vector<2000x64xf32>
    %get3A_73 = arith.constant 0 : index
    %get3A_74 = arith.constant 0 : index
    %get3A_75 = arith.constant 0 : index
    %get3A_76 = vector.load %arg11[%get3A_73, %get3A_74, %get3A_75] : memref<1x1x64xf32, #tpu.memory_space<vmem>>, vector<1x1x64xf32>
    %get3A_77 = vector.shape_cast %get3A_76 : vector<1x1x64xf32> to vector<1x64xf32>
    %add3A_78 = vector.broadcast %get3A_77 : vector<1x64xf32> to vector<2000x64xf32>
    %add3A_79 = arith.addf %mul3A_72, %add3A_78 : vector<2000x64xf32>
    %max3A_80 = arith.constant 0.000000e+00 : f32
    %max3A_81 = vector.broadcast %max3A_80 : f32 to vector<2000x64xf32>
    %max3A_82 = arith.maximumf %add3A_79, %max3A_81 : vector<2000x64xf32>
    %reshape3A = vector.shape_cast %max3A_82 : vector<2000x64xf32> to vector<20x100x64xf32>
    %reduce_max3A = arith.constant dense<0xFF800000> : vector<20x64xf32>
    %reduce_max3A_83 = vector.multi_reduction <maximumf>, %reshape3A, %reduce_max3A [1] : vector<20x100x64xf32> to vector<20x64xf32>
    %get3A_84 = arith.index_cast %arg0 : i32 to index
    %get3A_85 = arith.constant 0 : index
    %get3A_86 = memref.load %arg4[%get3A_84, %get3A_85] : memref<4x1xi32, #tpu.memory_space<smem>>
    %iota3A_87 = tpu.iota {dimensions = array<i32: 0>} : vector<20x1xi32>
    %mul3A_88 = arith.constant 20 : i32
    %mul3A_89 = arith.muli %arg1, %mul3A_88 : i32
    %add3A_90 = vector.broadcast %mul3A_89 : i32 to vector<20x1xi32>
    %add3A_91 = arith.addi %iota3A_87, %add3A_90 : vector<20x1xi32>
    %mul3A_92 = arith.constant 1 : i32
    %mul3A_93 = arith.muli %get3A_86, %mul3A_92 : i32
    %lt3A = vector.broadcast %mul3A_93 : i32 to vector<20x1xi32>
    %lt3A_94 = arith.cmpi slt, %add3A_91, %lt3A : vector<20x1xi32>
    %jit3A_95 = arith.constant 0.000000e+00 : f32
    %broadcast_in_dim3A = vector.shape_cast %lt3A_94 : vector<20x1xi1> to vector<20x1xi1>
    %broadcast_in_dim3A_96 = vector.broadcast %broadcast_in_dim3A : vector<20x1xi1> to vector<20x64xi1>
    %broadcast_in_dim3A_97 = vector.broadcast %jit3A_95 : f32 to vector<20x64xf32>
    %select_n3A_98 = arith.select %broadcast_in_dim3A_96, %reduce_max3A_83, %broadcast_in_dim3A_97 : vector<20x64xi1>, vector<20x64xf32>
    %swap3A = arith.constant 0 : index
    %swap3A_99 = arith.constant 0 : index
    %swap3A_100 = arith.constant 0 : index
    %swap3A_101 = arith.constant 0 : index
    %swap3A_102 = vector.load %arg12[%swap3A, %swap3A_99, %swap3A_100, %swap3A_101] : memref<1x1x20x64xf32, #tpu.memory_space<vmem>>, vector<1x1x20x64xf32>
    %swap3A_103 = vector.shape_cast %swap3A_102 : vector<1x1x20x64xf32> to vector<20x64xf32>
    %swap3A_104 = vector.shape_cast %select_n3A_98 : vector<20x64xf32> to vector<1x1x20x64xf32>
    tpu.vector_store %arg12[%swap3A, %swap3A_99, %swap3A_100, %swap3A_101], %swap3A_104 {strides = array<i32>} : memref<1x1x20x64xf32, #tpu.memory_space<vmem>>, vector<1x1x20x64xf32>,
    return
  }
  func.func @transform_0(%arg0: i32, %arg1: i32) -> (i32, i32, i32) {
    %c0_i32 = arith.constant 0 : i32
    %c0_i32_0 = arith.constant 0 : i32
    return %arg0, %arg1, %c0_i32 : i32, i32, i32
  }
  func.func @transform_1(%arg0: i32, %arg1: i32) -> (i32, i32, i32, i32) {
    %c0_i32 = arith.constant 0 : i32
    %c0_i32_0 = arith.constant 0 : i32
    %c0_i32_1 = arith.constant 0 : i32
    return %arg0, %arg1, %c0_i32, %c0_i32_0 : i32, i32, i32, i32
  }
  func.func @transform_2(%arg0: i32, %arg1: i32) -> (i32, i32) {
    %c0_i32 = arith.constant 0 : i32
    %c0_i32_0 = arith.constant 0 : i32
    %c0_i32_1 = arith.constant 0 : i32
    return %c0_i32, %c0_i32_0 : i32, i32
  }
  func.func @transform_3(%arg0: i32, %arg1: i32) -> (i32, i32) {
    %c0_i32 = arith.constant 0 : i32
    %c0_i32_0 = arith.constant 0 : i32
    %c0_i32_1 = arith.constant 0 : i32
    return %c0_i32, %c0_i32_0 : i32, i32
  }
  func.func @transform_4(%arg0: i32, %arg1: i32) -> (i32, i32) {
    %c0_i32 = arith.constant 0 : i32
    %c0_i32_0 = arith.constant 0 : i32
    %c0_i32_1 = arith.constant 0 : i32
    return %c0_i32, %c0_i32_0 : i32, i32
  }
  func.func @transform_5(%arg0: i32, %arg1: i32) -> (i32, i32, i32) {
    %c0_i32 = arith.constant 0 : i32
    %c0_i32_0 = arith.constant 0 : i32
    %c0_i32_1 = arith.constant 0 : i32
    return %arg0, %c0_i32, %c0_i32_0 : i32, i32, i32
  }
  func.func @transform_6(%arg0: i32, %arg1: i32) -> (i32, i32, i32) {
    %c0_i32 = arith.constant 0 : i32
    %c0_i32_0 = arith.constant 0 : i32
    %c0_i32_1 = arith.constant 0 : i32
    return %arg0, %c0_i32, %c0_i32_0 : i32, i32, i32
  }
  func.func @transform_7(%arg0: i32, %arg1: i32) -> (i32, i32) {
    %c0_i32 = arith.constant 0 : i32
    %c0_i32_0 = arith.constant 0 : i32
    %c0_i32_1 = arith.constant 0 : i32
    return %c0_i32, %c0_i32_0 : i32, i32
  }
  func.func @transform_8(%arg0: i32, %arg1: i32) -> (i32, i32, i32) {
    %c0_i32 = arith.constant 0 : i32
    %c0_i32_0 = arith.constant 0 : i32
    %c0_i32_1 = arith.constant 0 : i32
    return %arg0, %c0_i32, %c0_i32_0 : i32, i32, i32
  }
  func.func @transform_9(%arg0: i32, %arg1: i32) -> (i32, i32, i32) {
    %c0_i32 = arith.constant 0 : i32
    %c0_i32_0 = arith.constant 0 : i32
    %c0_i32_1 = arith.constant 0 : i32
    return %arg0, %c0_i32, %c0_i32_0 : i32, i32, i32
  }
  func.func @transform_10(%arg0: i32, %arg1: i32) -> (i32, i32, i32, i32) {
    %c0_i32 = arith.constant 0 : i32
    %c0_i32_0 = arith.constant 0 : i32
    %c0_i32_1 = arith.constant 0 : i32
    return %arg0, %arg1, %c0_i32, %c0_i32_0 : i32, i32, i32, i32
  }
}

</mosaic_0001>

<sc_bundles>
// kernel: gather_offload_async_start.1
scs
__scs_entry_jumppad:
0x0: {  	(pc) =	sbr.rel $0x88, $3  }
0x1: {  	(tag) =	ssettag $0x0;
	lr =	simm.s32 $0x1  }
0x2: {  	[smem:$0x3F9A] =	sst lr;
	_ =	strace $0xD0000000  }
0x3: {  	_ = 	snop  }
0x4: {  	_ = 	snop  }
0x5: {  	_ = 	snop  }
0x6: {  	_ = 	snop  }
0x7: {  	_ = 	snop  }
__scs_overlays_trampoline_lowered:
0x8: {  	[smem:$0x3FA9] =	sst s0  }
0x9: {  	[smem:$0x3FAA] =	sst s1  }
0xa: {  	[smem:$0x3FAB] =	sst s2  }
0xb: {  	[smem:$0x3FAC] =	sst s3  }
0xc: {  	[smem:$0x3FAD] =	sst s4  }
0xd: {  	[smem:$0x3FAE] =	sst s5  }
0xe: {  	[smem:$0x3FAF] =	sst s6  }
0xf: {  	[smem:$0x3FB0] =	sst s7  }
0x10: {  	[smem:$0x3FB1] =	sst s8  }
0x11: {  	[smem:$0x3FB2] =	sst s9;
	s0 =	simm.s32 @!p0 $0x0  }
0x12: {  	s1 =	sld [smem:$0x3F98];
	s0 =	simm.s32 @p0 $0x1  }
0x13: {  	[smem:$0x3FB3] =	sst s0;
	s0 =	simm.s32 @!p1 $0x0  }
0x14: {  	s2 =	sld [smem:$0x3F97];
	s0 =	simm.s32 @p1 $0x1  }
0x15: {  	[smem:$0x3FB4] =	sst s0;
	s0 =	simm.s32 @!p2 $0x0  }
0x16: {  	s3 =	sld [smem:$0x3FDB];
	s0 =	simm.s32 @p2 $0x1  }
0x17: {  	s4 =	simm.s32 $0x1BF5;
	[smem:$0x3FB6] =	sst s0  }
0x18: {  	s0 =	sld [smem:$0x3F99];
	_ =	swait.ge [sflag:s4], $0x0  }
0x19: {  	s7 =	sld [smem:$0x3F9A]  }
0x1a: {  	s8 =	sadd.s32 $0xFFFFE003, lr  }
0x1b: {  	s9 =	sadd.s32 $0xFFFFFEF7, lr;
	s5 =	simm.s32 $0xFFFFFFFF;
	p2 =	slt.u32 s8, $0xFFFFF086  }
0x1c: {  	p1 =	slt.u32 s9, $0xF7A;
	s5 =	simm.s32 @!p2 $0x0  }
0x1d: {  	s5 =	simm.s32 @p1 $0x1;
	p0 =	seq.s32 s7, s2  }
0x1e: {  	s7 =	smul.u32 @!p0 $0xF7A, s2;
	p2 =	seq.s32 @!p0 s5, $0x0  }
0x1f: {  	s9 =	smul.u32 $0xF7A, s1;
	s8 =	simm.s32 @!p0 $0x1BF5;
	p2 =	por !p2, p0  }
0x20: {  	[sflag:s8] =	ssyncset.s32 @!p0 $0xFFFFF086;
	s6 =	sadd.s32 @!p0 s3, s7;
	s7 =	simm.s32 @!p0 $0x108  }
0x21: {  	s3 =	sadd.s32 s3, s9;
	s6 =	sadd.s32 @!p0 $0x88, s6;
	s7 =	simm.s32 @p2 $0x1082  }
0x22: {  	[simem:s7], [sflag:s8] =	dma.local @!p0 [hbm:s6], $0xF7A  }
0x23: {  	s9 =	sor.u32 $0xD0000000, s2;
	s6 =	simm.s32 $0x108;
	_ =	swait.ge @!p0 [sflag:s8], $0x0  }
0x24: {  	s3 =	sadd.s32 $0x88, s3;
	s6 =	simm.s32 @!p1 $0x1082;
	[sflag:s4] =	ssyncset.s32 $0xFFFFF086  }
0x25: {  	[simem:s6], [sflag:s4] =	dma.local [hbm:s3], $0xF7A  }
0x26: {  	[smem:$0x3F9A] =	sst s1;
	(tag) =	ssettag s2;
	_ =	strace s9  }
0x27: {  	s1 =	sld [smem:$0x3FAA]  }
0x28: {  	s2 =	sld [smem:$0x3FAB]  }
0x29: {  	s4 =	sld [smem:$0x3FAD]  }
0x2a: {  	p0 =	seq.s32 s5, $0x0;
	s5 =	sld [smem:$0x3FAE]  }
0x2b: {  	s6 =	sld [smem:$0x3FAF]  }
0x2c: {  	s7 =	sld [smem:$0x3FB0]  }
0x2d: {  	s3 =	simm.s32 $0x108;
	s8 =	sld [smem:$0x3FB1]  }
0x2e: {  	s3 =	simm.s32 @!p0 $0x1082;
	s9 =	sld [smem:$0x3FB2]  }
0x2f: {  	lr =	sadd.s32 s0, s3;
	s0 =	sld [smem:$0x3FA9]  }
0x30: {  	s3 =	sld [smem:$0x3FAC]  }
0x31: {  	[smem:$0x3FB5] =	sst s10  }
0x32: {  	s10 =	sld [smem:$0x3FB3];
	_ =	sdelay $0x3  }
0x33: {  	p0 =	seq.s32 s10, $0x1;
	s10 =	sld [smem:$0x3FB5];
	_ =	sdelay $0x3  }
0x34: {  	[smem:$0x3FB5] =	sst s10  }
0x35: {  	s10 =	sld [smem:$0x3FB4];
	_ =	sdelay $0x3  }
0x36: {  	p1 =	seq.s32 s10, $0x1;
	s10 =	sld [smem:$0x3FB5];
	_ =	sdelay $0x3  }
0x37: {  	[smem:$0x3FB5] =	sst s10  }
0x38: {  	s10 =	sld [smem:$0x3FB6]  }
0x39: {  	_ = 	snop;
	(pc) =	sbr.ind lr, $3  }
0x3a: {  	_ = 	snop  }
0x3b: {  	_ = 	snop  }
0x3c: {  	p2 =	seq.s32 s10, $0x1;
	s10 =	sld [smem:$0x3FB5]  }
0x3d: {  	_ =	shalt  }
0x3e: {  	_ =	shalt  }
0x3f: {  	_ =	shalt  }
0x40: {  	_ =	shalt  }
0x41: {  	_ =	shalt  }
0x42: {  	_ =	shalt  }
0x43: {  	_ =	shalt  }
0x44: {  	_ =	shalt  }
0x45: {  	_ =	shalt  }
0x46: {  	_ =	shalt  }
0x47: {  	_ =	shalt  }
0x48: {  	_ =	shalt  }
0x49: {  	_ =	shalt  }
0x4a: {  	_ =	shalt  }
0x4b: {  	_ =	shalt  }
0x4c: {  	_ =	shalt  }
0x4d: {  	_ =	shalt  }
0x4e: {  	_ =	shalt  }
0x4f: {  	_ =	shalt  }
0x50: {  	_ =	shalt  }
0x51: {  	_ =	shalt  }
0x52: {  	_ =	shalt  }
0x53: {  	_ =	shalt  }
0x54: {  	_ =	shalt  }
0x55: {  	_ =	shalt  }
0x56: {  	_ =	shalt  }
0x57: {  	_ =	shalt  }
0x58: {  	_ =	shalt  }
0x59: {  	_ =	shalt  }
0x5a: {  	_ =	shalt  }
0x5b: {  	_ =	shalt  }
0x5c: {  	_ =	shalt  }
0x5d: {  	_ =	shalt  }
0x5e: {  	_ =	shalt  }
0x5f: {  	_ =	shalt  }
0x60: {  	_ =	shalt  }
0x61: {  	_ =	shalt  }
0x62: {  	_ =	shalt  }
0x63: {  	_ =	shalt  }
0x64: {  	_ =	shalt  }
0x65: {  	_ =	shalt  }
0x66: {  	_ =	shalt  }
0x67: {  	_ =	shalt  }
0x68: {  	_ =	shalt  }
0x69: {  	_ =	shalt  }
0x6a: {  	_ =	shalt  }
0x6b: {  	_ =	shalt  }
0x6c: {  	_ =	shalt  }
0x6d: {  	_ =	shalt  }
0x6e: {  	_ =	shalt  }
0x6f: {  	_ =	shalt  }
0x70: {  	_ =	shalt  }
0x71: {  	_ =	shalt  }
0x72: {  	_ =	shalt  }
0x73: {  	_ =	shalt  }
0x74: {  	_ =	shalt  }
0x75: {  	_ =	shalt  }
0x76: {  	_ =	shalt  }
0x77: {  	_ =	shalt  }
0x78: {  	_ =	shalt  }
0x79: {  	_ =	shalt  }
0x7a: {  	_ =	shalt  }
0x7b: {  	_ =	shalt  }
0x7c: {  	_ =	shalt  }
0x7d: {  	_ =	shalt  }
0x7e: {  	_ =	shalt  }
0x7f: {  	_ =	shalt  }
0x80: {  	_ =	shalt  }
0x81: {  	_ =	shalt  }
0x82: {  	_ =	shalt  }
0x83: {  	_ =	shalt  }
0x84: {  	_ =	shalt  }
0x85: {  	_ =	shalt  }
0x86: {  	_ =	shalt  }
0x87: {  	_ =	shalt  }
.Lfunc_end0:
.L_simem_size_0:
called_computation.1_lowered:
.L_overlay_start_0:
0x88: {  	s2 =	sld [smem:$0x3FD9]  }
0x89: {  	s3 =	sld [smem:$0x3FFE];
	_ =	sdelay $0x1  }
0x8a: {  	s1 =	srdreg.scid  }
0x8b: {  	s0 =	sand.u32 $0x1, s1  }
0x8c: {  	s14 =	sshll.u32 s0, $0xA;
	s2 =	sadd.s32 s3, s2  }
0x8d: {  	s2 =	sadd.s32 s2, s14  }
0x8e: {  	[smem:$0x3FC1] =	sst s2  }
0x8f: {  	_ = 	snop  }
0x90: {  	s2 =	sld [smem:$0x3FD0];
	_ =	sdelay $0x2  }
0x91: {  	s15 =	simm.s32 $0xA;
	s4 =	simm.s32 $0x10  }
0x92: {  	[smem:s4], [sflag:s15] =	dma.local [hbm:s2], $0x1  }
0x93: {  	_ =	swait.eq [sflag:s15], $0x1  }
0x94: {  	[sflag:s15] =	ssyncset.done $0x0  }
0x95: {  	[sflag:s15] =	ssyncadd.s32 $0xFFFFFFFF  }
0x96: {  	s16 =	sld [smem:$0x10];
	(tm) =	ssettm $0x1  }
0x97: {  	s17 =	sld [smem:$0x3FFB];
	_ =	sdelay $0x3  }
0x98: {  	_ =	strace s17  }
0x99: {  	s3 =	sld [smem:$0x3FFC];
	_ =	sdelay $0x3  }
0x9a: {  	_ =	strace s3  }
0x9b: {  	s3 =	sld [smem:$0x3FFD];
	_ =	sdelay $0x3  }
0x9c: {  	_ =	strace s3  }
0x9d: {  	_ =	strace $0x8FFFFFFF  }
0x9e: {  	s18 =	sld [smem:$0x3FDB];
	_ =	sdelay $0x1  }
0x9f: {  	s19 =	simm.s32 $_scs_section_size  }
0xa0: {  	s5 =	simm.s32 $_size__tile_overlayer_lowered;
	s6 =	simm.s32 $_tile_overlayer_lowered  }
0xa1: {  	s22 =	simm.s32 $0x1BFF;
	s21 =	sshll.u32 s6, $0x1;
	s3 =	sadd.s32 s19, s18  }
0xa2: {  	s7 =	simm.s32 $0x0;
	s20 =	sshll.u32 s5, $0x1;
	s5 =	sadd.s32 s21, s3  }
0xa3: {  	[timem:s7], [sflag:s22] =	dma.local [hbm:s5], s20  }
0xa4: {  	_ =	swait.ge [sflag:s22], s20  }
0xa5: {  	s4 =	ssub.s32 $0x0, s20;
	[sflag:s22] =	ssyncset.done $0x0  }
0xa6: {  	[sflag:s22] =	ssyncadd.s32 s4;
	_ =	sdelay $0x1  }
0xa7: {  	s23 =	simm.s32 $0x1B8B  }
0xa8: {  	_ =	swait.ge [sflag:s23], $0x1  }
0xa9: {  	[sflag:s23] =	ssyncset.done $0x0  }
0xaa: {  	s25 =	simm.s32 $0x1B8E;
	s24 =	sld [smem:$0x3FFE];
	[sflag:s23] =	ssyncadd.s32 $0xFFFFFFFF  }
0xab: {  	s26 =	simm.s32 $execute0_lowered;
	[smem:$0x3FD2] =	sst s25  }
0xac: {  	s5 =	sshll.u32 s26, $0x1;
	_ =	strace $0x80000046;
	[dreg:$0x1] =	wrdreg $0xFFFFFFFF  }
0xad: {  	s28 =	simm.s32 $_size_execute0_lowered;
	s3 =	sadd.s32 s3, s5;
	[dreg:$0x0] =	wrdreg $0x0  }
0xae: {  	s5 =	sshll.u32 s28, $0x1;
	[dreg:$0x2] =	wrdreg s3  }
0xaf: {  	[dreg:$0x3] =	wrdreg s5  }
0xb0: {  	[dreg:$0x4] =	wrdreg $0xC0  }
0xb1: {  	_ =	task [dreg:s7], $0x5FFFF  }
0xb2: {  	[dreg:$0x1] =	wrdreg $0xFFFFFFFF  }
0xb3: {  	[dreg:$0x0] =	wrdreg $0x60  }
0xb4: {  	[dreg:$0x2] =	wrdreg s24  }
0xb5: {  	[dreg:$0x3] =	wrdreg s16  }
0xb6: {  	[dreg:$0x4] =	wrdreg $0x9  }
0xb7: {  	_ =	task.clear_ibuf [dreg:s7], $0x5FFFF;
	_ =	strace $0x90000046  }
0xb8: {  	s29 =	simm.s32 $0x9;
	_ =	strace $0x80000048  }
0xb9: {  	_ =	swait.ge [sflag:s29], $0x1  }
0xba: {  	[sflag:s29] =	ssyncadd.s32 $0xFFFFFFFF  }
0xbb: {  	_ =	strace $0x90000048  }
0xbc: {  	_ =	sfence  }
0xbd: {  	s30 =	sld [smem:$0x0];
	_ =	sdelay $0x2  }
0xbe: {  	s31 =	sshll.u32 s1, $0xD;
	s1 =	sshrl.u32 s1, $0x2  }
0xbf: {  	s3 =	sand.u32 $0x4000, s31;
	s1 =	sadd.s32 s1, s30  }
0xc0: {  	s0 =	sor.u32 s3, s0;
	s1 =	sshll.u32 s1, $0x11  }
0xc1: {  	s0 =	sor.u32 s1, s0  }
0xc2: {  	s0 =	sadd.s32 $0x8F2B, s0  }
0xc3: {  	[sflag:s0] =	ssyncadd.remote.s32 $0x1  }
0xc4: {  	_ =	sfence.sel $0xFFFF  }
0xc5: {  	[dreg:$0x0] =	wrdreg $0xFFFFFFFF;
	(pc) =	sbr.abs _section_cstart, $3  }
0xc6: {  	[dreg:$0x1] =	wrdreg $0xFFFFFFFF  }
0xc7: {  	_ =	task.clear_ibuf [dreg:s7], $0x2FFFF;
	_ =	strace $0x9FFFFFFF  }
0xc8: {  	(tm) =	ssettm $0x7FFFFFFF  }
0xc9: {  	_ =	shalt  }
tec
execute0_lowered:
.L_overlay_start_1:
0x0: {  	(tag) =	ssettag $0x1  }
0x1: {  	s8 =	rddreg [dreg:$0x0];
	s0 =	stileid.u32  }
0x2: {  	s1 =	srdreg.scid;
	s2 =	rddreg [dreg:$0x1]  }
0x3: {  	s5 =	simm.s32 $0x1;
	s9 =	simm.s32 $0x1;
	s10 =	simm.s32 $0x3  }
0x4: {  	s13 =	simm.s32 $0x0;
	s3 =	sand.u32 $0x1, s1;
	s4 =	sshll.u32 s0, $0x1  }
0x5: {  	s12 =	simm.s32 $0x0;
	s1 =	rddreg [dreg:$0x2];
	s6 =	sor.u32 s4, s3  }
0x6: {  	_ =	strace $0x80000047;
	s3 =	sadd.s32 $0x1EC00, s8;
	s4 =	smul.u32 $0x4E20, s6  }
0x7: {  	[sflag:s5] =	ssyncpa.u1 $0x0;
	p0 =	slt.u32 s6, $0x9;
	s6 =	simm.s32 $0x9C400  }
.Ltmp0:
0x8: {  	s6 =	simm.s32 @!p0 $0x0;
	s7 =	ssub.s32 $0xC3500, s4;
	(pc) =	sbr.rel .LBB2_1-.Ltmp0, $4  }
0x9: {  	s9 =	simm.s32 @!p0 $0x0;
	p0 =	sne.s32 s7, s6;
	s7 =	simm.s32 $0x1  }
0xa: {  	s8 =	sadd.s32 $0x6200, s8;
	s6 =	simm.s32 $0x2;
	s7 =	simm.s32 @!p0 $0x0  }
0xb: {  	s11 =	smov.u32 s4;
	[sflag:s6] =	ssyncpa.u1 $0x0;
	s7 =	sadd.s32 s9, s7  }
0xc: {  	vm0 =	vmmov $0xffff;
	[sflag:s10] =	ssyncpa.u1 $0x0;
	s10 =	simm.s32 $0x0;
	s9 =	sadd.s32 $0x1, s7  }
.LBB2_4:
0xd: {  	vm1 =	veq.s32 v4, $0x80000000;
	v56 =	vand.u32 $0x3, v4;
	v6 =	vand.u32 $0x3FFFF, v6  }
0xe: {  	v2 =	vor.u32 v2, v5;
	v59 =	vshrl.u32 v1, $0x2;
	v60 =	vand.u32 $0x3, v1  }
0xf: {  	v4 =	vsel vm1, $0xFFFFFFFF, v56;
	v6 =	vsel vm1, $0xFFFFFFFF, v6;
	v2 =	vor.u32 v3, v2  }
0x10: {  	vm1 =	veq.s32 v1, $0x80000000;
	v5 =	vand.u32 $0x3FFFF, v59;
	v7 =	vshrl.u32 v4, $0x2  }
0x11: {  	v57 =	vshll.u32 v6, $0x2;
	v4 =	vshll.u32 v4, $0x7;
	v1 =	vsel vm1, $0xFFFFFFFF, v60  }
0x12: {  	v5 =	vsel vm1, $0xFFFFFFFF, v5;
	v6 =	vand.u32 $0x7F, v6;
	v7 =	vmul.u32 $0xC3600, v7  }
0x13: {  	v58 =	vand.u32 $0xFFFFFE00, v57;
	v4 =	vand.u32 $0x180, v4;
	v61 =	vshrl.u32 v1, $0x2  }
0x14: {  	v62 =	vshll.u32 v5, $0x2;
	v3 =	vadd.s32 v7, v58;
	v7 =	vmul.u32 $0xC3600, v61  }
0x15: {  	v1 =	vshll.u32 v1, $0x7;
	v3 =	vor.u32 v4, v3;
	v4 =	vand.u32 $0xFFFFFE00, v62  }
0x16: {  	v1 =	vand.u32 $0x180, v1;
	v3 =	vor.u32 v6, v3;
	v4 =	vadd.s32 v7, v4  }
0x17: {  	[tilespmem:s16], [sflag:$0x1] =	stream.indirect_vreg.gather [hbm4b:s3+s10], $0x1, v0, vm0, $0x4038;
	v63 =	vand.u32 $0x7F, v5;
	v1 =	vor.u32 v1, v4;
	[tilespmem:$0x13880] =	vst v63  }
0x18: {  	s15 =	sadd.s32 $0x10, s15;
	(ifvalue) =	ssetifvalue $0x7FFFFFFF;
	v0 =	vor.u32 v63, v1  }
0x19: {  	[tilespmem:s15], [sflag:$0x1] =	stream.indirect_vreg.gather [hbm4b:s3+s10], $0x1, v2, vm0, $0x4038;
	[tilespmem:$0x13880] =	vst v63  }
0x1a: {  	s15 =	sadd.s32 $0x10, s15;
	(ifvalue) =	ssetifvalue $0x7FFFFFFF  }
0x1b: {  	[tilespmem:s15], [sflag:$0x1] =	stream.indirect_vreg.gather [hbm4b:s3+s10], $0x1, v3, vm0, $0x4038;
	[tilespmem:$0x13880] =	vst v63  }
0x1c: {  	s15 =	sadd.s32 $0x10, s15;
	(ifvalue) =	ssetifvalue $0x7FFFFFFF  }
0x1d: {  	[tilespmem:s15], [sflag:$0x1] =	stream.indirect_vreg.gather [hbm4b:s3+s10], $0x1, v0, vm0, $0x4038;
	[tilespmem:$0x13880] =	vst v63  }
0x1e: {  	_ =	swait.ge [sflag:s5], $0x4E20  }
0x1f: {  	s30 =	sshrl.u32 s13, $0x3;
	[sflag:s5] =	ssyncset.done $0x0  }
0x20: {  	s31 =	sand.u32 $0x7, s13;
	s15 =	sadd.s32 s8, s30;
	[sflag:s5] =	ssyncadd.s32 $0xFFFFB1E0  }
0x21: {  	[hbm4b:s15+s31] =	stream.linear.scatter [tilespmem:s14], [sflag:$0x3], $0x4E20, $0x38;
	[tilespmem:$0x13880] =	vst v63  }
.LBB2_5:
0x22: {  	s15 =	sadd.s32 $0x9C400, s11  }
0x23: {  	p1 =	sgt.s32 s15, $0xC34FF  }
0x24: {  	s15 =	smov.u32 @p1 s4;
	p1 =	sne.s32 s12, s9  }
.Ltmp1:
0x25: {  	p0 =	slt.u32 s12, $0x2;
	(pc) =	sbr.rel @!p1 .LBB2_6-.Ltmp1, $4  }
0x26: {  	s14 =	simm.s32 @!p0 $0x3  }
0x27: {  	_ =	swait.ge @!p0 [sflag:s14], $0x4E20  }
0x28: {  	s16 =	sadd.s32 $0x1, s12;
	s13 =	smov.u32 s11;
	[sflag:s14] =	ssyncset.done @!p0 $0x0  }
0x29: {  	s12 =	smov.u32 s16;
	s11 =	smov.u32 s15;
	[sflag:s14] =	ssyncadd.s32 @!p0 $0xFFFFB1E0  }
.LBB2_1:
0x2a: {  	p0 =	sge.u32 s12, s7  }
0x2b: {  	s14 =	sxor.u32 @!p0 $0x1, s12  }
0x2c: {  	s14 =	smul.u32 @!p0 $0x13880, s14  }
0x2d: {  	s31 =	sadd.s32 $0xFFFFFFFF, s12;
	s15 =	sshrl.u32 @!p0 s11, $0x3  }
0x2e: {  	s16 =	sand.u32 @!p0 $0x7, s11;
	s15 =	sadd.s32 @!p0 s2, s15;
	s14 =	sshra.s32 @!p0 s14, $0x2  }
0x2f: {  	[tilespmem:s14], [sflag:$0x2] =	stream.linear.gather @!p0 [hbm4b:s15+s16], $0x4E20, $0x38;
	[tilespmem:$0x13880] =	vst v63  }
0x30: {  	p0 =	sge.u32 s31, s7  }
.Ltmp2:
0x31: {  	_ = 	snop;
	(pc) =	sbr.rel @p0 .LBB2_5-.Ltmp2, $1  }
0x32: {  	_ =	sdelay $0x3  }
0x33: {  	s14 =	sand.u32 $0x1, s12  }
0x34: {  	_ =	swait.ge [sflag:s6], $0x4E20;
	p0 =	seq.s32 s14, $0x1;
	s14 =	simm.s32 $0x4E20  }
0x35: {  	[sflag:s6] =	ssyncset.done $0x0;
	s14 =	simm.s32 @!p0 $0x0  }
0x36: {  	[sflag:s6] =	ssyncadd.s32 $0xFFFFB1E0;
	(ifvalue) =	ssetifvalue $0x7FFFFFFF;
	v0 =	vld.msk [tilespmem:s14+$0x0 ss:$0x1], $0xffff  }
0x37: {  	s15 =	sadd.s32 $0x10, s14  }
0x38: {  	v1 =	vld.msk [tilespmem:s15+$0x0 ss:$0x1], $0xffff;
	_ =	sdelay $0x2  }
0x39: {  	v2 =	vshrl.u32 v0, $0x2  }
0x3a: {  	vm1 =	veq.s32 v0, $0x80000000;
	v0 =	vand.u32 $0x3, v0;
	v2 =	vand.u32 $0x3FFFF, v2  }
0x3b: {  	v0 =	vsel vm1, $0xFFFFFFFF, v0;
	v6 =	vshrl.u32 v1, $0x2;
	v2 =	vsel vm1, $0xFFFFFFFF, v2  }
0x3c: {  	v3 =	vshrl.u32 v0, $0x2;
	v0 =	vshll.u32 v0, $0x7;
	vm1 =	veq.s32 v1, $0x80000000  }
0x3d: {  	s15 =	sadd.s32 $0x10, s15;
	v1 =	vand.u32 $0x3, v1;
	v4 =	vshll.u32 v2, $0x2;
	v3 =	vmul.u32 $0xC3600, v3  }
0x3e: {  	v0 =	vand.u32 $0x180, v0;
	v7 =	vand.u32 $0x7F, v2;
	v5 =	vand.u32 $0xFFFFFE00, v4;
	v4 =	vld.msk [tilespmem:s15+$0x0 ss:$0x1], $0xffff  }
0x3f: {  	v1 =	vsel vm1, $0xFFFFFFFF, v1;
	v2 =	vadd.s32 v3, v5;
	v3 =	vand.u32 $0x3FFFF, v6  }
0x40: {  	v3 =	vsel vm1, $0xFFFFFFFF, v3;
	v0 =	vor.u32 v0, v2;
	v2 =	vshrl.u32 v1, $0x2  }
0x41: {  	v1 =	vshll.u32 v1, $0x7;
	v5 =	vshll.u32 v3, $0x2;
	v8 =	vmul.u32 $0xC3600, v2  }
0x42: {  	s18 =	simm.s32 $0x30;
	s14 =	sadd.s32 $0x9C40, s14;
	s17 =	sadd.s32 $0x10, s15;
	v2 =	vand.u32 $0x180, v1;
	v0 =	vor.u32 v7, v0;
	v5 =	vand.u32 $0xFFFFFE00, v5  }
0x43: {  	s16 =	smov.u32 s14;
	s15 =	smov.u32 s14;
	v1 =	vld.msk [tilespmem:s17+$0x0 ss:$0x1], $0xffff;
	v3 =	vand.u32 $0x7F, v3;
	(ifvalue) =	ssetifvalue $0x7FFFFFFF;
	v6 =	vshrl.u32 v4, $0x2;
	v5 =	vadd.s32 v8, v5  }
.LBB2_3:
0x44: {  	s18 =	sadd.s32 $0x10, s18  }
0x45: {  	vm1 =	veq.s32 v4, $0x80000000;
	v4 =	vand.u32 $0x3, v4;
	v6 =	vand.u32 $0x3FFFF, v6;
	s15 =	sadd.s32 $0x10, s15;
	p0 =	slt.u32 s18, $0x4E10  }
.Ltmp3:
0x46: {  	v5 =	vor.u32 v2, v5;
	v4 =	vsel vm1, $0xFFFFFFFF, v4;
	v7 =	vsel vm1, $0xFFFFFFFF, v6;
	(pc) =	sbr.rel @p0 .LBB2_3-.Ltmp3, $4  }
0x47: {  	v2 =	vshrl.u32 v4, $0x2;
	v6 =	vshll.u32 v7, $0x2;
	v4 =	vshll.u32 v4, $0x7;
	[tilespmem:s16], [sflag:$0x1] =	stream.indirect_vreg.gather [hbm4b:s3+s10], $0x1, v0, vm0, $0x4038;
	[tilespmem:$0x13880] =	vst v63  }
0x48: {  	v0 =	vor.u32 v3, v5;
	s16 =	smov.u32 s15;
	v8 =	vmul.u32 $0xC3600, v2;
	v2 =	vand.u32 $0x180, v4  }
0x49: {  	s17 =	sadd.s32 $0x10, s17;
	v9 =	vand.u32 $0xFFFFFE00, v6  }
0x4a: {  	v3 =	vand.u32 $0x7F, v7;
	v6 =	vshrl.u32 v1, $0x2;
	v5 =	vadd.s32 v8, v9;
	(ifvalue) =	ssetifvalue $0x7FFFFFFF;
	v4 =	vmovc v1;
	v1 =	vld.msk [tilespmem:s17+$0x0 ss:$0x1], $0xffff  }
.Ltmp4:
0x4b: {  	_ = 	snop;
	(pc) =	sbr.rel .LBB2_4-.Ltmp4, $1  }
0x4c: {  	_ =	sdelay $0x3  }
.LBB2_6:
0x4d: {  	_ =	sfence.sel $0x180000  }
0x4e: {  	s2 =	simm.s32 $0x2;
	[bflag:$0x0] =	sbarrier.arrive $0xFFFF  }
0x4f: {  	s30 =	simm.s32 $0x3;
	[sflag:s2] =	ssyncpa.u1 $0x1  }
0x50: {  	s31 =	simm.s32 $0x1;
	[sflag:s30] =	ssyncpa.u1 $0x1  }
0x51: {  	[sflag:s31] =	ssyncpa.u1 $0x1  }
0x52: {  	p0 =	sne.s32 s0, $0x0;
	_ =	strace $0x90000047  }
0x53: {  	s0 =	sadd.s32 @!p0 $0x100000, s1;
	[bflag:$0x2] =	sbarrier.arrive $0xFFFF  }
0x54: {  	[sflag:s0] =	ssyncadd.tile.s32 @!p0 $0x1;
	_ =	shalt  }
.Lfunc_end2:
_tile_overlayer_lowered:
.L_overlay_start_2:
0x55: {  	(tag) =	ssettag $0x2  }
0x56: {  	s0 =	rddreg [dreg:$0x0];
	s2 =	stileid.u32  }
0x57: {  	s1 =	rddreg [dreg:$0x1];
	p0 =	sne.s32 s2, $0x0  }
0x58: {  	s3 =	rddreg [dreg:$0x2];
	[bflag:$0x3] =	sbarrier.arrive $0xFFFF;
	s2 =	simm.s32 @!p0 $0x1C01  }
0x59: {  	[timem:s3], [sflag:s2] =	dma.local @!p0 [hbm:s0], s1  }
0x5a: {  	s0 =	simm.s32 @!p0 $0x1  }
0x5b: {  	_ =	swait.ge @!p0 [sflag:s0], s1  }
0x5c: {  	s1 =	ssub.s32 @!p0 $0x0, s1;
	[sflag:s0] =	ssyncset.done @!p0 $0x0  }
0x5d: {  	[sflag:s0] =	ssyncadd.s32 @!p0 s1  }
0x5e: {  	[bflag:$0x3] =	sbarrier.arrive $0xFFFF  }
0x5f: {  	_ =	shalt  }

// kernel: gather_offload_async_start.2
scs
__scs_entry_jumppad:
0x0: {  	(pc) =	sbr.rel $0x88, $3  }
0x1: {  	(tag) =	ssettag $0x0;
	lr =	simm.s32 $0x1  }
0x2: {  	[smem:$0x3F9A] =	sst lr;
	_ =	strace $0xD0000000  }
0x3: {  	_ = 	snop  }
0x4: {  	_ = 	snop  }
0x5: {  	_ = 	snop  }
0x6: {  	_ = 	snop  }
0x7: {  	_ = 	snop  }
__scs_overlays_trampoline_lowered:
0x8: {  	[smem:$0x3FA9] =	sst s0  }
0x9: {  	[smem:$0x3FAA] =	sst s1  }
0xa: {  	[smem:$0x3FAB] =	sst s2  }
0xb: {  	[smem:$0x3FAC] =	sst s3  }
0xc: {  	[smem:$0x3FAD] =	sst s4  }
0xd: {  	[smem:$0x3FAE] =	sst s5  }
0xe: {  	[smem:$0x3FAF] =	sst s6  }
0xf: {  	[smem:$0x3FB0] =	sst s7  }
0x10: {  	[smem:$0x3FB1] =	sst s8  }
0x11: {  	[smem:$0x3FB2] =	sst s9;
	s0 =	simm.s32 @!p0 $0x0  }
0x12: {  	s1 =	sld [smem:$0x3F98];
	s0 =	simm.s32 @p0 $0x1  }
0x13: {  	[smem:$0x3FB3] =	sst s0;
	s0 =	simm.s32 @!p1 $0x0  }
0x14: {  	s2 =	sld [smem:$0x3F97];
	s0 =	simm.s32 @p1 $0x1  }
0x15: {  	[smem:$0x3FB4] =	sst s0;
	s0 =	simm.s32 @!p2 $0x0  }
0x16: {  	s3 =	sld [smem:$0x3FDB];
	s0 =	simm.s32 @p2 $0x1  }
0x17: {  	s4 =	simm.s32 $0x1BF5;
	[smem:$0x3FB6] =	sst s0  }
0x18: {  	s0 =	sld [smem:$0x3F99];
	_ =	swait.ge [sflag:s4], $0x0  }
0x19: {  	s7 =	sld [smem:$0x3F9A]  }
0x1a: {  	s8 =	sadd.s32 $0xFFFFE003, lr  }
0x1b: {  	s9 =	sadd.s32 $0xFFFFFEF7, lr;
	s5 =	simm.s32 $0xFFFFFFFF;
	p2 =	slt.u32 s8, $0xFFFFF086  }
0x1c: {  	p1 =	slt.u32 s9, $0xF7A;
	s5 =	simm.s32 @!p2 $0x0  }
0x1d: {  	s5 =	simm.s32 @p1 $0x1;
	p0 =	seq.s32 s7, s2  }
0x1e: {  	s7 =	smul.u32 @!p0 $0xF7A, s2;
	p2 =	seq.s32 @!p0 s5, $0x0  }
0x1f: {  	s9 =	smul.u32 $0xF7A, s1;
	s8 =	simm.s32 @!p0 $0x1BF5;
	p2 =	por !p2, p0  }
0x20: {  	[sflag:s8] =	ssyncset.s32 @!p0 $0xFFFFF086;
	s6 =	sadd.s32 @!p0 s3, s7;
	s7 =	simm.s32 @!p0 $0x108  }
0x21: {  	s3 =	sadd.s32 s3, s9;
	s6 =	sadd.s32 @!p0 $0x88, s6;
	s7 =	simm.s32 @p2 $0x1082  }
0x22: {  	[simem:s7], [sflag:s8] =	dma.local @!p0 [hbm:s6], $0xF7A  }
0x23: {  	s9 =	sor.u32 $0xD0000000, s2;
	s6 =	simm.s32 $0x108;
	_ =	swait.ge @!p0 [sflag:s8], $0x0  }
0x24: {  	s3 =	sadd.s32 $0x88, s3;
	s6 =	simm.s32 @!p1 $0x1082;
	[sflag:s4] =	ssyncset.s32 $0xFFFFF086  }
0x25: {  	[simem:s6], [sflag:s4] =	dma.local [hbm:s3], $0xF7A  }
0x26: {  	[smem:$0x3F9A] =	sst s1;
	(tag) =	ssettag s2;
	_ =	strace s9  }
0x27: {  	s1 =	sld [smem:$0x3FAA]  }
0x28: {  	s2 =	sld [smem:$0x3FAB]  }
0x29: {  	s4 =	sld [smem:$0x3FAD]  }
0x2a: {  	p0 =	seq.s32 s5, $0x0;
	s5 =	sld [smem:$0x3FAE]  }
0x2b: {  	s6 =	sld [smem:$0x3FAF]  }
0x2c: {  	s7 =	sld [smem:$0x3FB0]  }
0x2d: {  	s3 =	simm.s32 $0x108;
	s8 =	sld [smem:$0x3FB1]  }
0x2e: {  	s3 =	simm.s32 @!p0 $0x1082;
	s9 =	sld [smem:$0x3FB2]  }
0x2f: {  	lr =	sadd.s32 s0, s3;
	s0 =	sld [smem:$0x3FA9]  }
0x30: {  	s3 =	sld [smem:$0x3FAC]  }
0x31: {  	[smem:$0x3FB5] =	sst s10  }
0x32: {  	s10 =	sld [smem:$0x3FB3];
	_ =	sdelay $0x3  }
0x33: {  	p0 =	seq.s32 s10, $0x1;
	s10 =	sld [smem:$0x3FB5];
	_ =	sdelay $0x3  }
0x34: {  	[smem:$0x3FB5] =	sst s10  }
0x35: {  	s10 =	sld [smem:$0x3FB4];
	_ =	sdelay $0x3  }
0x36: {  	p1 =	seq.s32 s10, $0x1;
	s10 =	sld [smem:$0x3FB5];
	_ =	sdelay $0x3  }
0x37: {  	[smem:$0x3FB5] =	sst s10  }
0x38: {  	s10 =	sld [smem:$0x3FB6]  }
0x39: {  	_ = 	snop;
	(pc) =	sbr.ind lr, $3  }
0x3a: {  	_ = 	snop  }
0x3b: {  	_ = 	snop  }
0x3c: {  	p2 =	seq.s32 s10, $0x1;
	s10 =	sld [smem:$0x3FB5]  }
0x3d: {  	_ =	shalt  }
0x3e: {  	_ =	shalt  }
0x3f: {  	_ =	shalt  }
0x40: {  	_ =	shalt  }
0x41: {  	_ =	shalt  }
0x42: {  	_ =	shalt  }
0x43: {  	_ =	shalt  }
0x44: {  	_ =	shalt  }
0x45: {  	_ =	shalt  }
0x46: {  	_ =	shalt  }
0x47: {  	_ =	shalt  }
0x48: {  	_ =	shalt  }
0x49: {  	_ =	shalt  }
0x4a: {  	_ =	shalt  }
0x4b: {  	_ =	shalt  }
0x4c: {  	_ =	shalt  }
0x4d: {  	_ =	shalt  }
0x4e: {  	_ =	shalt  }
0x4f: {  	_ =	shalt  }
0x50: {  	_ =	shalt  }
0x51: {  	_ =	shalt  }
0x52: {  	_ =	shalt  }
0x53: {  	_ =	shalt  }
0x54: {  	_ =	shalt  }
0x55: {  	_ =	shalt  }
0x56: {  	_ =	shalt  }
0x57: {  	_ =	shalt  }
0x58: {  	_ =	shalt  }
0x59: {  	_ =	shalt  }
0x5a: {  	_ =	shalt  }
0x5b: {  	_ =	shalt  }
0x5c: {  	_ =	shalt  }
0x5d: {  	_ =	shalt  }
0x5e: {  	_ =	shalt  }
0x5f: {  	_ =	shalt  }
0x60: {  	_ =	shalt  }
0x61: {  	_ =	shalt  }
0x62: {  	_ =	shalt  }
0x63: {  	_ =	shalt  }
0x64: {  	_ =	shalt  }
0x65: {  	_ =	shalt  }
0x66: {  	_ =	shalt  }
0x67: {  	_ =	shalt  }
0x68: {  	_ =	shalt  }
0x69: {  	_ =	shalt  }
0x6a: {  	_ =	shalt  }
0x6b: {  	_ =	shalt  }
0x6c: {  	_ =	shalt  }
0x6d: {  	_ =	shalt  }
0x6e: {  	_ =	shalt  }
0x6f: {  	_ =	shalt  }
0x70: {  	_ =	shalt  }
0x71: {  	_ =	shalt  }
0x72: {  	_ =	shalt  }
0x73: {  	_ =	shalt  }
0x74: {  	_ =	shalt  }
0x75: {  	_ =	shalt  }
0x76: {  	_ =	shalt  }
0x77: {  	_ =	shalt  }
0x78: {  	_ =	shalt  }
0x79: {  	_ =	shalt  }
0x7a: {  	_ =	shalt  }
0x7b: {  	_ =	shalt  }
0x7c: {  	_ =	shalt  }
0x7d: {  	_ =	shalt  }
0x7e: {  	_ =	shalt  }
0x7f: {  	_ =	shalt  }
0x80: {  	_ =	shalt  }
0x81: {  	_ =	shalt  }
0x82: {  	_ =	shalt  }
0x83: {  	_ =	shalt  }
0x84: {  	_ =	shalt  }
0x85: {  	_ =	shalt  }
0x86: {  	_ =	shalt  }
0x87: {  	_ =	shalt  }
.Lfunc_end0:
.L_simem_size_0:
called_computation.2_lowered:
.L_overlay_start_0:
0x88: {  	s2 =	sld [smem:$0x3FD9]  }
0x89: {  	s3 =	sld [smem:$0x3FFE];
	_ =	sdelay $0x1  }
0x8a: {  	s1 =	srdreg.scid  }
0x8b: {  	s0 =	sand.u32 $0x1, s1  }
0x8c: {  	s14 =	sshll.u32 s0, $0xA;
	s2 =	sadd.s32 s3, s2  }
0x8d: {  	s2 =	sadd.s32 s2, s14  }
0x8e: {  	[smem:$0x3FC1] =	sst s2  }
0x8f: {  	_ = 	snop  }
0x90: {  	s2 =	sld [smem:$0x3FD0];
	_ =	sdelay $0x2  }
0x91: {  	s15 =	simm.s32 $0xA;
	s4 =	simm.s32 $0x10  }
0x92: {  	[smem:s4], [sflag:s15] =	dma.local [hbm:s2], $0x1  }
0x93: {  	_ =	swait.eq [sflag:s15], $0x1  }
0x94: {  	[sflag:s15] =	ssyncset.done $0x0  }
0x95: {  	[sflag:s15] =	ssyncadd.s32 $0xFFFFFFFF  }
0x96: {  	s16 =	sld [smem:$0x10];
	(tm) =	ssettm $0x1  }
0x97: {  	s17 =	sld [smem:$0x3FFB];
	_ =	sdelay $0x3  }
0x98: {  	_ =	strace s17  }
0x99: {  	s3 =	sld [smem:$0x3FFC];
	_ =	sdelay $0x3  }
0x9a: {  	_ =	strace s3  }
0x9b: {  	s3 =	sld [smem:$0x3FFD];
	_ =	sdelay $0x3  }
0x9c: {  	_ =	strace s3  }
0x9d: {  	_ =	strace $0x8FFFFFFF  }
0x9e: {  	s18 =	sld [smem:$0x3FDB];
	_ =	sdelay $0x1  }
0x9f: {  	s19 =	simm.s32 $_scs_section_size  }
0xa0: {  	s5 =	simm.s32 $_size__tile_overlayer_lowered;
	s6 =	simm.s32 $_tile_overlayer_lowered  }
0xa1: {  	s22 =	simm.s32 $0x1BFF;
	s21 =	sshll.u32 s6, $0x1;
	s3 =	sadd.s32 s19, s18  }
0xa2: {  	s7 =	simm.s32 $0x0;
	s20 =	sshll.u32 s5, $0x1;
	s5 =	sadd.s32 s21, s3  }
0xa3: {  	[timem:s7], [sflag:s22] =	dma.local [hbm:s5], s20  }
0xa4: {  	_ =	swait.ge [sflag:s22], s20  }
0xa5: {  	s4 =	ssub.s32 $0x0, s20;
	[sflag:s22] =	ssyncset.done $0x0  }
0xa6: {  	[sflag:s22] =	ssyncadd.s32 s4;
	_ =	sdelay $0x1  }
0xa7: {  	s23 =	simm.s32 $0x1B8B  }
0xa8: {  	_ =	swait.ge [sflag:s23], $0x1  }
0xa9: {  	[sflag:s23] =	ssyncset.done $0x0  }
0xaa: {  	s25 =	simm.s32 $0x1B8E;
	s24 =	sld [smem:$0x3FFE];
	[sflag:s23] =	ssyncadd.s32 $0xFFFFFFFF  }
0xab: {  	s26 =	simm.s32 $execute0_lowered;
	[smem:$0x3FD2] =	sst s25  }
0xac: {  	s5 =	sshll.u32 s26, $0x1;
	_ =	strace $0x80000049;
	[dreg:$0x1] =	wrdreg $0xFFFFFFFF  }
0xad: {  	s28 =	simm.s32 $_size_execute0_lowered;
	s3 =	sadd.s32 s3, s5;
	[dreg:$0x0] =	wrdreg $0x0  }
0xae: {  	s5 =	sshll.u32 s28, $0x1;
	[dreg:$0x2] =	wrdreg s3  }
0xaf: {  	[dreg:$0x3] =	wrdreg s5  }
0xb0: {  	[dreg:$0x4] =	wrdreg $0xC0  }
0xb1: {  	_ =	task [dreg:s7], $0x5FFFF  }
0xb2: {  	[dreg:$0x1] =	wrdreg $0xFFFFFFFF  }
0xb3: {  	[dreg:$0x0] =	wrdreg $0x60  }
0xb4: {  	[dreg:$0x2] =	wrdreg s24  }
0xb5: {  	[dreg:$0x3] =	wrdreg s16  }
0xb6: {  	[dreg:$0x4] =	wrdreg $0x9  }
0xb7: {  	_ =	task.clear_ibuf [dreg:s7], $0x5FFFF;
	_ =	strace $0x90000049  }
0xb8: {  	s29 =	simm.s32 $0x9;
	_ =	strace $0x8000004B  }
0xb9: {  	_ =	swait.ge [sflag:s29], $0x1  }
0xba: {  	[sflag:s29] =	ssyncadd.s32 $0xFFFFFFFF  }
0xbb: {  	_ =	strace $0x9000004B  }
0xbc: {  	_ =	sfence  }
0xbd: {  	s30 =	sld [smem:$0x0];
	_ =	sdelay $0x2  }
0xbe: {  	s31 =	sshll.u32 s1, $0xD;
	s1 =	sshrl.u32 s1, $0x2  }
0xbf: {  	s3 =	sand.u32 $0x4000, s31;
	s1 =	sadd.s32 s1, s30  }
0xc0: {  	s0 =	sor.u32 s3, s0;
	s1 =	sshll.u32 s1, $0x11  }
0xc1: {  	s0 =	sor.u32 s1, s0  }
0xc2: {  	s0 =	sadd.s32 $0x8F2B, s0  }
0xc3: {  	[sflag:s0] =	ssyncadd.remote.s32 $0x1  }
0xc4: {  	_ =	sfence.sel $0xFFFF  }
0xc5: {  	[dreg:$0x0] =	wrdreg $0xFFFFFFFF;
	(pc) =	sbr.abs _section_cstart, $3  }
0xc6: {  	[dreg:$0x1] =	wrdreg $0xFFFFFFFF  }
0xc7: {  	_ =	task.clear_ibuf [dreg:s7], $0x2FFFF;
	_ =	strace $0x9FFFFFFF  }
0xc8: {  	(tm) =	ssettm $0x7FFFFFFF  }
0xc9: {  	_ =	shalt  }
tec
execute0_lowered:
.L_overlay_start_1:
0x0: {  	(tag) =	ssettag $0x1  }
0x1: {  	s2 =	rddreg [dreg:$0x0]  }
0x2: {  	s0 =	stileid.u32;
	s1 =	srdreg.scid  }
0x3: {  	s3 =	rddreg [dreg:$0x1];
	s8 =	simm.s32 $0x1;
	s9 =	simm.s32 $0x3  }
0x4: {  	s10 =	simm.s32 $0x0;
	s4 =	sand.u32 $0x1, s1;
	s5 =	sshll.u32 s0, $0x1  }
0x5: {  	s13 =	simm.s32 $0x0;
	s12 =	simm.s32 $0x0;
	s6 =	sor.u32 s5, s4  }
0x6: {  	s1 =	rddreg [dreg:$0x2];
	_ =	strace $0x8000004A;
	s4 =	smul.u32 $0x4E20, s6  }
0x7: {  	s5 =	simm.s32 $0x1;
	p0 =	slt.u32 s6, $0x9;
	s6 =	simm.s32 $0x9C400  }
.Ltmp0:
0x8: {  	s6 =	simm.s32 @!p0 $0x0;
	s7 =	ssub.s32 $0xC3500, s4;
	(pc) =	sbr.rel .LBB2_1-.Ltmp0, $4  }
0x9: {  	s8 =	simm.s32 @!p0 $0x0;
	p0 =	sne.s32 s7, s6;
	s7 =	simm.s32 $0x1  }
0xa: {  	[sflag:s5] =	ssyncpa.u1 $0x0;
	s6 =	simm.s32 $0x2;
	s7 =	simm.s32 @!p0 $0x0  }
0xb: {  	s11 =	smov.u32 s4;
	[sflag:s6] =	ssyncpa.u1 $0x0;
	s7 =	sadd.s32 s8, s7  }
0xc: {  	vm0 =	vmmov $0xffff;
	s8 =	sadd.s32 $0x18800, s2;
	[sflag:s9] =	ssyncpa.u1 $0x0;
	s9 =	sadd.s32 $0x1, s7  }
.LBB2_4:
0xd: {  	vm1 =	veq.s32 v4, $0x80000000;
	v56 =	vand.u32 $0x3, v4;
	v6 =	vand.u32 $0x3FFFF, v6  }
0xe: {  	v2 =	vor.u32 v2, v5;
	v59 =	vshrl.u32 v1, $0x2;
	v60 =	vand.u32 $0x3, v1  }
0xf: {  	v4 =	vsel vm1, $0xFFFFFFFF, v56;
	v6 =	vsel vm1, $0xFFFFFFFF, v6;
	v2 =	vor.u32 v3, v2  }
0x10: {  	vm1 =	veq.s32 v1, $0x80000000;
	v5 =	vand.u32 $0x3FFFF, v59;
	v7 =	vshrl.u32 v4, $0x2  }
0x11: {  	v57 =	vshll.u32 v6, $0x2;
	v4 =	vshll.u32 v4, $0x7;
	v1 =	vsel vm1, $0xFFFFFFFF, v60  }
0x12: {  	v5 =	vsel vm1, $0xFFFFFFFF, v5;
	v6 =	vand.u32 $0x7F, v6;
	v7 =	vmul.u32 $0xC3600, v7  }
0x13: {  	v58 =	vand.u32 $0xFFFFFE00, v57;
	v4 =	vand.u32 $0x180, v4;
	v61 =	vshrl.u32 v1, $0x2  }
0x14: {  	v62 =	vshll.u32 v5, $0x2;
	v3 =	vadd.s32 v7, v58;
	v7 =	vmul.u32 $0xC3600, v61  }
0x15: {  	v1 =	vshll.u32 v1, $0x7;
	v3 =	vor.u32 v4, v3;
	v4 =	vand.u32 $0xFFFFFE00, v62  }
0x16: {  	v1 =	vand.u32 $0x180, v1;
	v3 =	vor.u32 v6, v3;
	v4 =	vadd.s32 v7, v4  }
0x17: {  	[tilespmem:s16], [sflag:$0x1] =	stream.indirect_vreg.gather [hbm4b:s2+s10], $0x1, v0, vm0, $0x4038;
	v63 =	vand.u32 $0x7F, v5;
	v1 =	vor.u32 v1, v4;
	[tilespmem:$0x13880] =	vst v63  }
0x18: {  	s15 =	sadd.s32 $0x10, s15;
	(ifvalue) =	ssetifvalue $0x7FFFFFFF;
	v0 =	vor.u32 v63, v1  }
0x19: {  	[tilespmem:s15], [sflag:$0x1] =	stream.indirect_vreg.gather [hbm4b:s2+s10], $0x1, v2, vm0, $0x4038;
	[tilespmem:$0x13880] =	vst v63  }
0x1a: {  	s15 =	sadd.s32 $0x10, s15;
	(ifvalue) =	ssetifvalue $0x7FFFFFFF  }
0x1b: {  	[tilespmem:s15], [sflag:$0x1] =	stream.indirect_vreg.gather [hbm4b:s2+s10], $0x1, v3, vm0, $0x4038;
	[tilespmem:$0x13880] =	vst v63  }
0x1c: {  	s15 =	sadd.s32 $0x10, s15;
	(ifvalue) =	ssetifvalue $0x7FFFFFFF  }
0x1d: {  	[tilespmem:s15], [sflag:$0x1] =	stream.indirect_vreg.gather [hbm4b:s2+s10], $0x1, v0, vm0, $0x4038;
	[tilespmem:$0x13880] =	vst v63  }
0x1e: {  	_ =	swait.ge [sflag:s5], $0x4E20  }
0x1f: {  	s30 =	sshrl.u32 s13, $0x3;
	[sflag:s5] =	ssyncset.done $0x0  }
0x20: {  	s31 =	sand.u32 $0x7, s13;
	s15 =	sadd.s32 s8, s30;
	[sflag:s5] =	ssyncadd.s32 $0xFFFFB1E0  }
0x21: {  	[hbm4b:s15+s31] =	stream.linear.scatter [tilespmem:s14], [sflag:$0x3], $0x4E20, $0x38;
	[tilespmem:$0x13880] =	vst v63  }
.LBB2_5:
0x22: {  	s15 =	sadd.s32 $0x9C400, s11  }
0x23: {  	p1 =	sgt.s32 s15, $0xC34FF  }
0x24: {  	s15 =	smov.u32 @p1 s4;
	p1 =	sne.s32 s12, s9  }
.Ltmp1:
0x25: {  	p0 =	slt.u32 s12, $0x2;
	(pc) =	sbr.rel @!p1 .LBB2_6-.Ltmp1, $4  }
0x26: {  	s14 =	simm.s32 @!p0 $0x3  }
0x27: {  	_ =	swait.ge @!p0 [sflag:s14], $0x4E20  }
0x28: {  	s16 =	sadd.s32 $0x1, s12;
	s13 =	smov.u32 s11;
	[sflag:s14] =	ssyncset.done @!p0 $0x0  }
0x29: {  	s12 =	smov.u32 s16;
	s11 =	smov.u32 s15;
	[sflag:s14] =	ssyncadd.s32 @!p0 $0xFFFFB1E0  }
.LBB2_1:
0x2a: {  	p0 =	sge.u32 s12, s7  }
0x2b: {  	s14 =	sxor.u32 @!p0 $0x1, s12  }
0x2c: {  	s14 =	smul.u32 @!p0 $0x13880, s14  }
0x2d: {  	s31 =	sadd.s32 $0xFFFFFFFF, s12;
	s15 =	sshrl.u32 @!p0 s11, $0x3  }
0x2e: {  	s16 =	sand.u32 @!p0 $0x7, s11;
	s15 =	sadd.s32 @!p0 s3, s15;
	s14 =	sshra.s32 @!p0 s14, $0x2  }
0x2f: {  	[tilespmem:s14], [sflag:$0x2] =	stream.linear.gather @!p0 [hbm4b:s15+s16], $0x4E20, $0x38;
	[tilespmem:$0x13880] =	vst v63  }
0x30: {  	p0 =	sge.u32 s31, s7  }
.Ltmp2:
0x31: {  	_ = 	snop;
	(pc) =	sbr.rel @p0 .LBB2_5-.Ltmp2, $1  }
0x32: {  	_ =	sdelay $0x3  }
0x33: {  	s14 =	sand.u32 $0x1, s12  }
0x34: {  	_ =	swait.ge [sflag:s6], $0x4E20;
	p0 =	seq.s32 s14, $0x1;
	s14 =	simm.s32 $0x4E20  }
0x35: {  	[sflag:s6] =	ssyncset.done $0x0;
	s14 =	simm.s32 @!p0 $0x0  }
0x36: {  	[sflag:s6] =	ssyncadd.s32 $0xFFFFB1E0;
	(ifvalue) =	ssetifvalue $0x7FFFFFFF;
	v0 =	vld.msk [tilespmem:s14+$0x0 ss:$0x1], $0xffff  }
0x37: {  	s15 =	sadd.s32 $0x10, s14  }
0x38: {  	v1 =	vld.msk [tilespmem:s15+$0x0 ss:$0x1], $0xffff;
	_ =	sdelay $0x2  }
0x39: {  	v2 =	vshrl.u32 v0, $0x2  }
0x3a: {  	vm1 =	veq.s32 v0, $0x80000000;
	v0 =	vand.u32 $0x3, v0;
	v2 =	vand.u32 $0x3FFFF, v2  }
0x3b: {  	v0 =	vsel vm1, $0xFFFFFFFF, v0;
	v6 =	vshrl.u32 v1, $0x2;
	v2 =	vsel vm1, $0xFFFFFFFF, v2  }
0x3c: {  	v3 =	vshrl.u32 v0, $0x2;
	v0 =	vshll.u32 v0, $0x7;
	vm1 =	veq.s32 v1, $0x80000000  }
0x3d: {  	s15 =	sadd.s32 $0x10, s15;
	v1 =	vand.u32 $0x3, v1;
	v4 =	vshll.u32 v2, $0x2;
	v3 =	vmul.u32 $0xC3600, v3  }
0x3e: {  	v0 =	vand.u32 $0x180, v0;
	v7 =	vand.u32 $0x7F, v2;
	v5 =	vand.u32 $0xFFFFFE00, v4;
	v4 =	vld.msk [tilespmem:s15+$0x0 ss:$0x1], $0xffff  }
0x3f: {  	v1 =	vsel vm1, $0xFFFFFFFF, v1;
	v2 =	vadd.s32 v3, v5;
	v3 =	vand.u32 $0x3FFFF, v6  }
0x40: {  	v3 =	vsel vm1, $0xFFFFFFFF, v3;
	v0 =	vor.u32 v0, v2;
	v2 =	vshrl.u32 v1, $0x2  }
0x41: {  	v1 =	vshll.u32 v1, $0x7;
	v5 =	vshll.u32 v3, $0x2;
	v8 =	vmul.u32 $0xC3600, v2  }
0x42: {  	s18 =	simm.s32 $0x30;
	s14 =	sadd.s32 $0x9C40, s14;
	s17 =	sadd.s32 $0x10, s15;
	v2 =	vand.u32 $0x180, v1;
	v0 =	vor.u32 v7, v0;
	v5 =	vand.u32 $0xFFFFFE00, v5  }
0x43: {  	s16 =	smov.u32 s14;
	s15 =	smov.u32 s14;
	v1 =	vld.msk [tilespmem:s17+$0x0 ss:$0x1], $0xffff;
	v3 =	vand.u32 $0x7F, v3;
	(ifvalue) =	ssetifvalue $0x7FFFFFFF;
	v6 =	vshrl.u32 v4, $0x2;
	v5 =	vadd.s32 v8, v5  }
.LBB2_3:
0x44: {  	s18 =	sadd.s32 $0x10, s18  }
0x45: {  	vm1 =	veq.s32 v4, $0x80000000;
	v4 =	vand.u32 $0x3, v4;
	v6 =	vand.u32 $0x3FFFF, v6;
	s15 =	sadd.s32 $0x10, s15;
	p0 =	slt.u32 s18, $0x4E10  }
.Ltmp3:
0x46: {  	v5 =	vor.u32 v2, v5;
	v4 =	vsel vm1, $0xFFFFFFFF, v4;
	v7 =	vsel vm1, $0xFFFFFFFF, v6;
	(pc) =	sbr.rel @p0 .LBB2_3-.Ltmp3, $4  }
0x47: {  	v2 =	vshrl.u32 v4, $0x2;
	v6 =	vshll.u32 v7, $0x2;
	v4 =	vshll.u32 v4, $0x7;
	[tilespmem:s16], [sflag:$0x1] =	stream.indirect_vreg.gather [hbm4b:s2+s10], $0x1, v0, vm0, $0x4038;
	[tilespmem:$0x13880] =	vst v63  }
0x48: {  	v0 =	vor.u32 v3, v5;
	s16 =	smov.u32 s15;
	v8 =	vmul.u32 $0xC3600, v2;
	v2 =	vand.u32 $0x180, v4  }
0x49: {  	s17 =	sadd.s32 $0x10, s17;
	v9 =	vand.u32 $0xFFFFFE00, v6  }
0x4a: {  	v3 =	vand.u32 $0x7F, v7;
	v6 =	vshrl.u32 v1, $0x2;
	v5 =	vadd.s32 v8, v9;
	(ifvalue) =	ssetifvalue $0x7FFFFFFF;
	v4 =	vmovc v1;
	v1 =	vld.msk [tilespmem:s17+$0x0 ss:$0x1], $0xffff  }
.Ltmp4:
0x4b: {  	_ = 	snop;
	(pc) =	sbr.rel .LBB2_4-.Ltmp4, $1  }
0x4c: {  	_ =	sdelay $0x3  }
.LBB2_6:
0x4d: {  	_ =	sfence.sel $0x180000  }
0x4e: {  	s2 =	simm.s32 $0x2;
	[bflag:$0x0] =	sbarrier.arrive $0xFFFF  }
0x4f: {  	s30 =	simm.s32 $0x3;
	[sflag:s2] =	ssyncpa.u1 $0x1  }
0x50: {  	s31 =	simm.s32 $0x1;
	[sflag:s30] =	ssyncpa.u1 $0x1  }
0x51: {  	[sflag:s31] =	ssyncpa.u1 $0x1  }
0x52: {  	p0 =	sne.s32 s0, $0x0;
	_ =	strace $0x9000004A  }
0x53: {  	s0 =	sadd.s32 @!p0 $0x100000, s1;
	[bflag:$0x2] =	sbarrier.arrive $0xFFFF  }
0x54: {  	[sflag:s0] =	ssyncadd.tile.s32 @!p0 $0x1;
	_ =	shalt  }
.Lfunc_end2:
_tile_overlayer_lowered:
.L_overlay_start_2:
0x55: {  	(tag) =	ssettag $0x2  }
0x56: {  	s0 =	rddreg [dreg:$0x0];
	s2 =	stileid.u32  }
0x57: {  	s1 =	rddreg [dreg:$0x1];
	p0 =	sne.s32 s2, $0x0  }
0x58: {  	s3 =	rddreg [dreg:$0x2];
	[bflag:$0x3] =	sbarrier.arrive $0xFFFF;
	s2 =	simm.s32 @!p0 $0x1C01  }
0x59: {  	[timem:s3], [sflag:s2] =	dma.local @!p0 [hbm:s0], s1  }
0x5a: {  	s0 =	simm.s32 @!p0 $0x1  }
0x5b: {  	_ =	swait.ge @!p0 [sflag:s0], s1  }
0x5c: {  	s1 =	ssub.s32 @!p0 $0x0, s1;
	[sflag:s0] =	ssyncset.done @!p0 $0x0  }
0x5d: {  	[sflag:s0] =	ssyncadd.s32 @!p0 s1  }
0x5e: {  	[bflag:$0x3] =	sbarrier.arrive $0xFFFF  }
0x5f: {  	_ =	shalt  }

// kernel: gather_offload_async_start.3
scs
__scs_entry_jumppad:
0x0: {  	(pc) =	sbr.rel $0x88, $3  }
0x1: {  	(tag) =	ssettag $0x0;
	lr =	simm.s32 $0x1  }
0x2: {  	[smem:$0x3F9A] =	sst lr;
	_ =	strace $0xD0000000  }
0x3: {  	_ = 	snop  }
0x4: {  	_ = 	snop  }
0x5: {  	_ = 	snop  }
0x6: {  	_ = 	snop  }
0x7: {  	_ = 	snop  }
__scs_overlays_trampoline_lowered:
0x8: {  	[smem:$0x3FA9] =	sst s0  }
0x9: {  	[smem:$0x3FAA] =	sst s1  }
0xa: {  	[smem:$0x3FAB] =	sst s2  }
0xb: {  	[smem:$0x3FAC] =	sst s3  }
0xc: {  	[smem:$0x3FAD] =	sst s4  }
0xd: {  	[smem:$0x3FAE] =	sst s5  }
0xe: {  	[smem:$0x3FAF] =	sst s6  }
0xf: {  	[smem:$0x3FB0] =	sst s7  }
0x10: {  	[smem:$0x3FB1] =	sst s8  }
0x11: {  	[smem:$0x3FB2] =	sst s9;
	s0 =	simm.s32 @!p0 $0x0  }
0x12: {  	s1 =	sld [smem:$0x3F98];
	s0 =	simm.s32 @p0 $0x1  }
0x13: {  	[smem:$0x3FB3] =	sst s0;
	s0 =	simm.s32 @!p1 $0x0  }
0x14: {  	s2 =	sld [smem:$0x3F97];
	s0 =	simm.s32 @p1 $0x1  }
0x15: {  	[smem:$0x3FB4] =	sst s0;
	s0 =	simm.s32 @!p2 $0x0  }
0x16: {  	s3 =	sld [smem:$0x3FDB];
	s0 =	simm.s32 @p2 $0x1  }
0x17: {  	s4 =	simm.s32 $0x1BF5;
	[smem:$0x3FB6] =	sst s0  }
0x18: {  	s0 =	sld [smem:$0x3F99];
	_ =	swait.ge [sflag:s4], $0x0  }
0x19: {  	s7 =	sld [smem:$0x3F9A]  }
0x1a: {  	s8 =	sadd.s32 $0xFFFFE003, lr  }
0x1b: {  	s9 =	sadd.s32 $0xFFFFFEF7, lr;
	s5 =	simm.s32 $0xFFFFFFFF;
	p2 =	slt.u32 s8, $0xFFFFF086  }
0x1c: {  	p1 =	slt.u32 s9, $0xF7A;
	s5 =	simm.s32 @!p2 $0x0  }
0x1d: {  	s5 =	simm.s32 @p1 $0x1;
	p0 =	seq.s32 s7, s2  }
0x1e: {  	s7 =	smul.u32 @!p0 $0xF7A, s2;
	p2 =	seq.s32 @!p0 s5, $0x0  }
0x1f: {  	s9 =	smul.u32 $0xF7A, s1;
	s8 =	simm.s32 @!p0 $0x1BF5;
	p2 =	por !p2, p0  }
0x20: {  	[sflag:s8] =	ssyncset.s32 @!p0 $0xFFFFF086;
	s6 =	sadd.s32 @!p0 s3, s7;
	s7 =	simm.s32 @!p0 $0x108  }
0x21: {  	s3 =	sadd.s32 s3, s9;
	s6 =	sadd.s32 @!p0 $0x88, s6;
	s7 =	simm.s32 @p2 $0x1082  }
0x22: {  	[simem:s7], [sflag:s8] =	dma.local @!p0 [hbm:s6], $0xF7A  }
0x23: {  	s9 =	sor.u32 $0xD0000000, s2;
	s6 =	simm.s32 $0x108;
	_ =	swait.ge @!p0 [sflag:s8], $0x0  }
0x24: {  	s3 =	sadd.s32 $0x88, s3;
	s6 =	simm.s32 @!p1 $0x1082;
	[sflag:s4] =	ssyncset.s32 $0xFFFFF086  }
0x25: {  	[simem:s6], [sflag:s4] =	dma.local [hbm:s3], $0xF7A  }
0x26: {  	[smem:$0x3F9A] =	sst s1;
	(tag) =	ssettag s2;
	_ =	strace s9  }
0x27: {  	s1 =	sld [smem:$0x3FAA]  }
0x28: {  	s2 =	sld [smem:$0x3FAB]  }
0x29: {  	s4 =	sld [smem:$0x3FAD]  }
0x2a: {  	p0 =	seq.s32 s5, $0x0;
	s5 =	sld [smem:$0x3FAE]  }
0x2b: {  	s6 =	sld [smem:$0x3FAF]  }
0x2c: {  	s7 =	sld [smem:$0x3FB0]  }
0x2d: {  	s3 =	simm.s32 $0x108;
	s8 =	sld [smem:$0x3FB1]  }
0x2e: {  	s3 =	simm.s32 @!p0 $0x1082;
	s9 =	sld [smem:$0x3FB2]  }
0x2f: {  	lr =	sadd.s32 s0, s3;
	s0 =	sld [smem:$0x3FA9]  }
0x30: {  	s3 =	sld [smem:$0x3FAC]  }
0x31: {  	[smem:$0x3FB5] =	sst s10  }
0x32: {  	s10 =	sld [smem:$0x3FB3];
	_ =	sdelay $0x3  }
0x33: {  	p0 =	seq.s32 s10, $0x1;
	s10 =	sld [smem:$0x3FB5];
	_ =	sdelay $0x3  }
0x34: {  	[smem:$0x3FB5] =	sst s10  }
0x35: {  	s10 =	sld [smem:$0x3FB4];
	_ =	sdelay $0x3  }
0x36: {  	p1 =	seq.s32 s10, $0x1;
	s10 =	sld [smem:$0x3FB5];
	_ =	sdelay $0x3  }
0x37: {  	[smem:$0x3FB5] =	sst s10  }
0x38: {  	s10 =	sld [smem:$0x3FB6]  }
0x39: {  	_ = 	snop;
	(pc) =	sbr.ind lr, $3  }
0x3a: {  	_ = 	snop  }
0x3b: {  	_ = 	snop  }
0x3c: {  	p2 =	seq.s32 s10, $0x1;
	s10 =	sld [smem:$0x3FB5]  }
0x3d: {  	_ =	shalt  }
0x3e: {  	_ =	shalt  }
0x3f: {  	_ =	shalt  }
0x40: {  	_ =	shalt  }
0x41: {  	_ =	shalt  }
0x42: {  	_ =	shalt  }
0x43: {  	_ =	shalt  }
0x44: {  	_ =	shalt  }
0x45: {  	_ =	shalt  }
0x46: {  	_ =	shalt  }
0x47: {  	_ =	shalt  }
0x48: {  	_ =	shalt  }
0x49: {  	_ =	shalt  }
0x4a: {  	_ =	shalt  }
0x4b: {  	_ =	shalt  }
0x4c: {  	_ =	shalt  }
0x4d: {  	_ =	shalt  }
0x4e: {  	_ =	shalt  }
0x4f: {  	_ =	shalt  }
0x50: {  	_ =	shalt  }
0x51: {  	_ =	shalt  }
0x52: {  	_ =	shalt  }
0x53: {  	_ =	shalt  }
0x54: {  	_ =	shalt  }
0x55: {  	_ =	shalt  }
0x56: {  	_ =	shalt  }
0x57: {  	_ =	shalt  }
0x58: {  	_ =	shalt  }
0x59: {  	_ =	shalt  }
0x5a: {  	_ =	shalt  }
0x5b: {  	_ =	shalt  }
0x5c: {  	_ =	shalt  }
0x5d: {  	_ =	shalt  }
0x5e: {  	_ =	shalt  }
0x5f: {  	_ =	shalt  }
0x60: {  	_ =	shalt  }
0x61: {  	_ =	shalt  }
0x62: {  	_ =	shalt  }
0x63: {  	_ =	shalt  }
0x64: {  	_ =	shalt  }
0x65: {  	_ =	shalt  }
0x66: {  	_ =	shalt  }
0x67: {  	_ =	shalt  }
0x68: {  	_ =	shalt  }
0x69: {  	_ =	shalt  }
0x6a: {  	_ =	shalt  }
0x6b: {  	_ =	shalt  }
0x6c: {  	_ =	shalt  }
0x6d: {  	_ =	shalt  }
0x6e: {  	_ =	shalt  }
0x6f: {  	_ =	shalt  }
0x70: {  	_ =	shalt  }
0x71: {  	_ =	shalt  }
0x72: {  	_ =	shalt  }
0x73: {  	_ =	shalt  }
0x74: {  	_ =	shalt  }
0x75: {  	_ =	shalt  }
0x76: {  	_ =	shalt  }
0x77: {  	_ =	shalt  }
0x78: {  	_ =	shalt  }
0x79: {  	_ =	shalt  }
0x7a: {  	_ =	shalt  }
0x7b: {  	_ =	shalt  }
0x7c: {  	_ =	shalt  }
0x7d: {  	_ =	shalt  }
0x7e: {  	_ =	shalt  }
0x7f: {  	_ =	shalt  }
0x80: {  	_ =	shalt  }
0x81: {  	_ =	shalt  }
0x82: {  	_ =	shalt  }
0x83: {  	_ =	shalt  }
0x84: {  	_ =	shalt  }
0x85: {  	_ =	shalt  }
0x86: {  	_ =	shalt  }
0x87: {  	_ =	shalt  }
.Lfunc_end0:
.L_simem_size_0:
called_computation.3_lowered:
.L_overlay_start_0:
0x88: {  	s2 =	sld [smem:$0x3FD9]  }
0x89: {  	s3 =	sld [smem:$0x3FFE];
	_ =	sdelay $0x1  }
0x8a: {  	s1 =	srdreg.scid  }
0x8b: {  	s0 =	sand.u32 $0x1, s1  }
0x8c: {  	s14 =	sshll.u32 s0, $0xA;
	s2 =	sadd.s32 s3, s2  }
0x8d: {  	s2 =	sadd.s32 s2, s14  }
0x8e: {  	[smem:$0x3FC1] =	sst s2  }
0x8f: {  	_ = 	snop  }
0x90: {  	s2 =	sld [smem:$0x3FD0];
	_ =	sdelay $0x2  }
0x91: {  	s4 =	simm.s32 $0xA;
	s5 =	simm.s32 $0x10;
	s15 =	sld [smem:$0x3FC9]  }
0x92: {  	[smem:s5], [sflag:s4] =	dma.local [hbm:s2], $0x1  }
0x93: {  	_ =	swait.eq [sflag:s4], $0x1  }
0x94: {  	[sflag:s4] =	ssyncset.done $0x0  }
0x95: {  	[sflag:s4] =	ssyncadd.s32 $0xFFFFFFFF  }
0x96: {  	s16 =	sld [smem:$0x10];
	(tm) =	ssettm $0x1  }
0x97: {  	s17 =	sld [smem:$0x3FFB];
	_ =	sdelay $0x3  }
0x98: {  	_ =	strace s17  }
0x99: {  	s4 =	sld [smem:$0x3FFC];
	_ =	sdelay $0x3  }
0x9a: {  	_ =	strace s4  }
0x9b: {  	s4 =	sld [smem:$0x3FFD];
	_ =	sdelay $0x3  }
0x9c: {  	_ =	strace s4  }
0x9d: {  	_ =	strace $0x8FFFFFFF  }
0x9e: {  	s18 =	sld [smem:$0x3FDB];
	_ =	sdelay $0x1  }
0x9f: {  	s19 =	simm.s32 $_scs_section_size  }
0xa0: {  	s6 =	simm.s32 $_size__tile_overlayer_lowered;
	s7 =	simm.s32 $_tile_overlayer_lowered  }
0xa1: {  	s22 =	simm.s32 $0x1BFF;
	s21 =	sshll.u32 s7, $0x1;
	s4 =	sadd.s32 s19, s18  }
0xa2: {  	s8 =	simm.s32 $0x0;
	s20 =	sshll.u32 s6, $0x1;
	s6 =	sadd.s32 s21, s4  }
0xa3: {  	[timem:s8], [sflag:s22] =	dma.local [hbm:s6], s20  }
0xa4: {  	_ =	swait.ge [sflag:s22], s20  }
0xa5: {  	s5 =	ssub.s32 $0x0, s20;
	[sflag:s22] =	ssyncset.done $0x0  }
0xa6: {  	[sflag:s22] =	ssyncadd.s32 s5;
	_ =	sdelay $0x1  }
0xa7: {  	s23 =	simm.s32 $0x1B8B  }
0xa8: {  	_ =	swait.ge [sflag:s23], $0x1  }
0xa9: {  	[sflag:s23] =	ssyncset.done $0x0  }
0xaa: {  	s25 =	simm.s32 $0x1B8E;
	s24 =	sld [smem:$0x3FFE];
	[sflag:s23] =	ssyncadd.s32 $0xFFFFFFFF  }
0xab: {  	s26 =	simm.s32 $execute0_lowered;
	[smem:$0x3FD2] =	sst s25  }
0xac: {  	s6 =	sshll.u32 s26, $0x1;
	_ =	strace $0x8000004C;
	[dreg:$0x1] =	wrdreg $0xFFFFFFFF  }
0xad: {  	s28 =	simm.s32 $_size_execute0_lowered;
	s4 =	sadd.s32 s4, s6;
	[dreg:$0x0] =	wrdreg $0x0  }
0xae: {  	s6 =	sshll.u32 s28, $0x1;
	[dreg:$0x2] =	wrdreg s4  }
0xaf: {  	[dreg:$0x3] =	wrdreg s6  }
0xb0: {  	[dreg:$0x4] =	wrdreg $0xC0  }
0xb1: {  	_ =	task [dreg:s8], $0x5FFFF  }
0xb2: {  	[dreg:$0x1] =	wrdreg $0xFFFFFFFF  }
0xb3: {  	[dreg:$0x0] =	wrdreg $0x60  }
0xb4: {  	[dreg:$0x2] =	wrdreg s15  }
0xb5: {  	[dreg:$0x3] =	wrdreg s16  }
0xb6: {  	[dreg:$0x4] =	wrdreg s24  }
0xb7: {  	[dreg:$0x5] =	wrdreg $0x9  }
0xb8: {  	_ =	task.clear_ibuf [dreg:s8], $0x6FFFF;
	_ =	strace $0x9000004C  }
0xb9: {  	s29 =	simm.s32 $0x9;
	_ =	strace $0x8000004E  }
0xba: {  	_ =	swait.ge [sflag:s29], $0x1  }
0xbb: {  	[sflag:s29] =	ssyncadd.s32 $0xFFFFFFFF  }
0xbc: {  	_ =	strace $0x9000004E  }
0xbd: {  	_ =	sfence  }
0xbe: {  	s30 =	sld [smem:$0x0];
	_ =	sdelay $0x2  }
0xbf: {  	s31 =	sshll.u32 s1, $0xD;
	s1 =	sshrl.u32 s1, $0x2  }
0xc0: {  	s3 =	sand.u32 $0x4000, s31;
	s1 =	sadd.s32 s1, s30  }
0xc1: {  	s0 =	sor.u32 s3, s0;
	s1 =	sshll.u32 s1, $0x11  }
0xc2: {  	s0 =	sor.u32 s1, s0  }
0xc3: {  	s0 =	sadd.s32 $0x8F2B, s0  }
0xc4: {  	[sflag:s0] =	ssyncadd.remote.s32 $0x1  }
0xc5: {  	_ =	sfence.sel $0xFFFF  }
0xc6: {  	[dreg:$0x0] =	wrdreg $0xFFFFFFFF;
	(pc) =	sbr.abs _section_cstart, $3  }
0xc7: {  	[dreg:$0x1] =	wrdreg $0xFFFFFFFF  }
0xc8: {  	_ =	task.clear_ibuf [dreg:s8], $0x2FFFF;
	_ =	strace $0x9FFFFFFF  }
0xc9: {  	(tm) =	ssettm $0x7FFFFFFF  }
tec
execute0_lowered:
.L_overlay_start_1:
0x0: {  	(tag) =	ssettag $0x1  }
0x1: {  	s0 =	stileid.u32;
	s1 =	srdreg.scid  }
0x2: {  	s1 =	sand.u32 $0x1, s1;
	s2 =	sshll.u32 s0, $0x1  }
0x3: {  	s1 =	sor.u32 s2, s1  }
0x4: {  	s2 =	smul.u32 $0xC80, s1;
	_ =	sdelay $0x1  }
0x5: {  	s3 =	rddreg [dreg:$0x0];
	s6 =	ssub.s32 $0xC3500, s2  }
0x6: {  	s4 =	rddreg [dreg:$0x1];
	s31 =	smulhi.u32 $0xA3D71, s6  }
0x7: {  	s8 =	rddreg [dreg:$0x2]  }
0x8: {  	s5 =	simm.s32 $0x1;
	s10 =	simm.s32 $0x3;
	s7 =	sshrl.u32 s31, $0x4  }
0x9: {  	s13 =	simm.s32 $0x0;
	s12 =	simm.s32 $0x0;
	s9 =	smul.u32 $0x19000, s7  }
.Ltmp0:
0xa: {  	s8 =	sadd.s32 $0x38600, s8;
	s1 =	rddreg [dreg:$0x3];
	(pc) =	sbr.rel .LBB2_1-.Ltmp0, $4  }
0xb: {  	_ =	strace $0x8000004D;
	p0 =	sne.s32 s6, s9;
	s9 =	simm.s32 $0x1  }
0xc: {  	[sflag:s5] =	ssyncpa.u1 $0x0;
	s6 =	simm.s32 $0x2;
	s9 =	simm.s32 @!p0 $0x0  }
0xd: {  	s11 =	smov.u32 s2;
	[sflag:s6] =	ssyncpa.u1 $0x0;
	s7 =	sadd.s32 s9, s7  }
0xe: {  	vm0 =	vmmov $0xffff;
	v0 =	vlaneseq.u32;
	[sflag:s10] =	ssyncpa.u1 $0x0;
	s10 =	simm.s32 $0x0;
	s9 =	sadd.s32 $0x1, s7  }
.LBB2_4:
0xf: {  	_ =	sdelay $0x3  }
0x10: {  	[tilespmem:s22], [sflag:$0x1] =	stream.indirect_vreg.gather [hbm4b:s3+s10], $0x1, v1, vm0, $0x4038;
	[tilespmem:$0x7D00] =	vst v63  }
0x11: {  	s15 =	sadd.s32 s19, s15  }
0x12: {  	v1 =	vld.msk [tilespmem:s15+$0x0 ss:$0x1], $0xffff;
	_ =	sdelay $0x4  }
0x13: {  	v2 =	vshrl.u32 v1, $0x2  }
0x14: {  	v3 =	vand.u32 $0x3, v1;
	vm1 =	veq.s32 v1, $0x80000000;
	v1 =	vand.u32 $0x3FFFF, v2  }
0x15: {  	p0 =	sgt.s32 s18, $0x0;
	v2 =	vmul.u32 $0xC3600, v3;
	v1 =	vsel vm1, $0xFFFFFFFF, v1  }
0x16: {  	s18 =	simm.s32 @!p0 $0x0;
	v3 =	vshll.u32 v1, $0x2  }
0x17: {  	s25 =	smin.u32 s18, $0x10;
	v2 =	vsel vm1, $0xFFF3CA00, v2;
	v3 =	vand.u32 $0xFFFFFE00, v3  }
0x18: {  	v1 =	vand.u32 $0x7F, v1;
	v2 =	vadd.s32 v2, v3;
	v3 =	vmov s25  }
0x19: {  	v1 =	vor.u32 v1, v2;
	vm1 =	vgt.u32 v3, v0  }
0x1a: {  	v2 =	vnsel vm1, $0x7FFFFFFF, v1;
	_ =	sdelay $0x1  }
0x1b: {  	s26 =	sand.u32 $0x3E00, s16;
	v3 =	vor.u32 $0x80, v1  }
0x1c: {  	s28 =	sand.u32 $0x70, s17;
	(ifvalue) =	ssetifvalue $0x7FFFFFFF;
	s15 =	sadd.s32 s26, s14;
	v3 =	vnsel vm1, $0x7FFFFFFF, v3  }
0x1d: {  	s15 =	sadd.s32 s28, s15;
	(ifvalue) =	ssetifvalue $0x7FFFFFFF  }
0x1e: {  	v4 =	vor.u32 $0x100, v1;
	[tilespmem:s15], [sflag:$0x1] =	stream.indirect_vreg.gather [hbm4b:s3+s10], $0x1, v2, vm0, $0x4038;
	[tilespmem:$0x7D00] =	vst v63  }
0x1f: {  	(ifvalue) =	ssetifvalue $0x7FFFFFFF;
	v2 =	vnsel vm1, $0x7FFFFFFF, v4  }
0x20: {  	s16 =	sadd.s32 $0x80, s15;
	(ifvalue) =	ssetifvalue $0x7FFFFFFF  }
0x21: {  	v1 =	vor.u32 $0x180, v1;
	[tilespmem:s16], [sflag:$0x1] =	stream.indirect_vreg.gather [hbm4b:s3+s10], $0x1, v3, vm0, $0x4038;
	[tilespmem:$0x7D00] =	vst v63  }
0x22: {  	v1 =	vnsel vm1, $0x7FFFFFFF, v1;
	(ifvalue) =	ssetifvalue $0x7FFFFFFF  }
0x23: {  	s29 =	sadd.s32 $0x100, s15;
	(ifvalue) =	ssetifvalue $0x7FFFFFFF  }
0x24: {  	[tilespmem:s29], [sflag:$0x1] =	stream.indirect_vreg.gather [hbm4b:s3+s10], $0x1, v2, vm0, $0x4038;
	[tilespmem:$0x7D00] =	vst v63  }
0x25: {  	(ifvalue) =	ssetifvalue $0x7FFFFFFF  }
0x26: {  	s30 =	sshll.u32 s13, $0x2;
	s15 =	sadd.s32 $0x180, s15;
	(ifvalue) =	ssetifvalue $0x7FFFFFFF  }
0x27: {  	[tilespmem:s15], [sflag:$0x1] =	stream.indirect_vreg.gather [hbm4b:s3+s10], $0x1, v1, vm0, $0x4038;
	[tilespmem:$0x7D00] =	vst v63  }
0x28: {  	s31 =	sand.u32 $0x78, s13;
	s15 =	sand.u32 $0xFFFFFE00, s30  }
0x29: {  	_ =	swait.ge [sflag:s5], $0x3200;
	s13 =	sor.u32 s31, s15  }
0x2a: {  	[sflag:s5] =	ssyncset.done $0x0;
	s13 =	sshrl.u32 s13, $0x3  }
0x2b: {  	[sflag:s5] =	ssyncadd.s32 $0xFFFFCE00;
	s13 =	sadd.s32 s8, s13  }
0x2c: {  	[hbm:s13] =	stream.linear.scatter [tilespmem:s14], [sflag:$0x3], $0x3200, $0x38;
	[tilespmem:$0x7D00] =	vst v63  }
.LBB2_5:
0x2d: {  	s15 =	sadd.s32 $0x19000, s11  }
0x2e: {  	p1 =	sgt.s32 s15, $0xC34FF  }
0x2f: {  	s15 =	smov.u32 @p1 s2;
	p1 =	sne.s32 s12, s9  }
.Ltmp1:
0x30: {  	p0 =	slt.u32 s12, $0x2;
	(pc) =	sbr.rel @!p1 .LBB2_6-.Ltmp1, $4  }
0x31: {  	s14 =	simm.s32 @!p0 $0x3  }
0x32: {  	_ =	swait.ge @!p0 [sflag:s14], $0x3200  }
0x33: {  	s16 =	sadd.s32 $0x1, s12;
	s13 =	smov.u32 s11;
	[sflag:s14] =	ssyncset.done @!p0 $0x0  }
0x34: {  	s12 =	smov.u32 s16;
	s11 =	smov.u32 s15;
	[sflag:s14] =	ssyncadd.s32 @!p0 $0xFFFFCE00  }
.LBB2_1:
0x35: {  	p0 =	sge.u32 s12, s7  }
0x36: {  	s14 =	sxor.u32 @!p0 $0xFFFFFFFF, s12  }
0x37: {  	s14 =	sand.u32 @!p0 $0x1, s14  }
0x38: {  	s14 =	smul.u32 @!p0 $0x3200, s14  }
0x39: {  	s31 =	sadd.s32 $0xFFFFFFFF, s12;
	s15 =	sshrl.u32 @!p0 s11, $0x3  }
0x3a: {  	s16 =	sand.u32 @!p0 $0x7, s11;
	s15 =	sadd.s32 @!p0 s4, s15;
	s14 =	sshrl.u32 @!p0 s14, $0x2  }
0x3b: {  	[tilespmem:s14], [sflag:$0x2] =	stream.linear.gather @!p0 [hbm4b:s15+s16], $0xC80, $0x38;
	[tilespmem:$0x7D00] =	vst v63  }
0x3c: {  	p0 =	sge.u32 s31, s7  }
.Ltmp2:
0x3d: {  	_ = 	snop;
	(pc) =	sbr.rel @p0 .LBB2_5-.Ltmp2, $1  }
0x3e: {  	_ =	sdelay $0x3  }
0x3f: {  	s14 =	sand.u32 $0x1, s12  }
0x40: {  	p0 =	seq.s32 s14, $0x1;
	s14 =	simm.s32 $0x3200  }
0x41: {  	_ =	swait.ge [sflag:s6], $0xC80;
	s14 =	simm.s32 @!p0 $0x0  }
0x42: {  	[sflag:s6] =	ssyncset.done $0x0;
	s15 =	sshrl.u32 s14, $0x2  }
0x43: {  	[sflag:s6] =	ssyncadd.s32 $0xFFFFF380;
	s16 =	sadd.s32 $0x0, s15  }
0x44: {  	v1 =	vld.msk [tilespmem:s16+$0x0 ss:$0x1], $0xffff;
	_ =	sdelay $0x3  }
0x45: {  	s17 =	ssub.s32 $0xC3500, s13  }
0x46: {  	p0 =	slt.s32 s17, $0xC80;
	v2 =	vshrl.u32 v1, $0x2  }
0x47: {  	s17 =	simm.s32 @!p0 $0xC80;
	v3 =	vand.u32 $0x3, v1;
	vm1 =	veq.s32 v1, $0x80000000;
	v1 =	vand.u32 $0x3FFFF, v2  }
0x48: {  	p0 =	sgt.s32 s17, $0x0;
	s16 =	smov.u32 s17;
	v2 =	vmul.u32 $0xC3600, v3;
	v1 =	vsel vm1, $0xFFFFFFFF, v1  }
0x49: {  	s16 =	simm.s32 @!p0 $0x0;
	v3 =	vshll.u32 v1, $0x2  }
0x4a: {  	s16 =	smin.u32 s16, $0x10;
	v2 =	vsel vm1, $0xFFF3CA00, v2;
	v3 =	vand.u32 $0xFFFFFE00, v3  }
0x4b: {  	v1 =	vand.u32 $0x7F, v1;
	v2 =	vadd.s32 v2, v3;
	v3 =	vmov s16  }
0x4c: {  	v1 =	vor.u32 v1, v2;
	vm1 =	vgt.u32 v3, v0  }
0x4d: {  	v2 =	vnsel vm1, $0x7FFFFFFF, v1  }
0x4e: {  	s31 =	simm.s32 $0x0  }
0x4f: {  	s18 =	sand.u32 $0x3E00, s31;
	s14 =	sadd.s32 $0x1900, s14;
	v3 =	vor.u32 $0x80, v1  }
0x50: {  	s18 =	sadd.s32 s18, s14;
	(ifvalue) =	ssetifvalue $0x7FFFFFFF;
	s16 =	sand.u32 $0x70, s31;
	v3 =	vnsel vm1, $0x7FFFFFFF, v3  }
0x51: {  	(ifvalue) =	ssetifvalue $0x7FFFFFFF;
	s20 =	sadd.s32 s16, s18  }
0x52: {  	v4 =	vor.u32 $0x100, v1;
	[tilespmem:s20], [sflag:$0x1] =	stream.indirect_vreg.gather [hbm4b:s3+s10], $0x1, v2, vm0, $0x4038;
	[tilespmem:$0x7D00] =	vst v63  }
0x53: {  	(ifvalue) =	ssetifvalue $0x7FFFFFFF;
	v2 =	vnsel vm1, $0x7FFFFFFF, v4  }
0x54: {  	s16 =	sadd.s32 $0x80, s20;
	(ifvalue) =	ssetifvalue $0x7FFFFFFF  }
0x55: {  	v1 =	vor.u32 $0x180, v1;
	[tilespmem:s16], [sflag:$0x1] =	stream.indirect_vreg.gather [hbm4b:s3+s10], $0x1, v3, vm0, $0x4038;
	[tilespmem:$0x7D00] =	vst v63  }
0x56: {  	s19 =	simm.s32 $0x10;
	v1 =	vnsel vm1, $0x7FFFFFFF, v1;
	(ifvalue) =	ssetifvalue $0x7FFFFFFF  }
0x57: {  	s21 =	simm.s32 $0x80;
	s18 =	sadd.s32 $0x100, s20;
	(ifvalue) =	ssetifvalue $0x7FFFFFFF  }
0x58: {  	[tilespmem:s18], [sflag:$0x1] =	stream.indirect_vreg.gather [hbm4b:s3+s10], $0x1, v2, vm0, $0x4038;
	[tilespmem:$0x7D00] =	vst v63  }
0x59: {  	s22 =	sadd.s32 $0x180, s20;
	s16 =	simm.s32 $0x40;
	(ifvalue) =	ssetifvalue $0x7FFFFFFF  }
0x5a: {  	s18 =	sadd.s32 $0xFFFFFFF0, s17;
	s17 =	simm.s32 $0x10;
	(ifvalue) =	ssetifvalue $0x7FFFFFFF  }
.LBB2_3:
0x5b: {  	[tilespmem:s22], [sflag:$0x1] =	stream.indirect_vreg.gather [hbm4b:s3+s10], $0x1, v1, vm0, $0x4038;
	[tilespmem:$0x7D00] =	vst v63  }
0x5c: {  	s22 =	smov.u32 s21  }
0x5d: {  	s20 =	sadd.s32 $0x40, s21;
	s23 =	sadd.s32 s19, s15;
	s19 =	sshra.s32 s22, $0x2  }
0x5e: {  	p0 =	sne.s32 s21, $0x31C0;
	v1 =	vld.msk [tilespmem:s23+$0x0 ss:$0x1], $0xffff  }
0x5f: {  	(ifvalue) =	ssetifvalue $0x7FFFFFFF;
	_ =	sdelay $0x4  }
0x60: {  	v2 =	vand.u32 $0x3, v1;
	v3 =	vshrl.u32 v1, $0x2  }
0x61: {  	vm1 =	veq.s32 v1, $0x80000000;
	v1 =	vand.u32 $0x3FFFF, v3;
	v2 =	vmul.u32 $0xC3600, v2  }
0x62: {  	p1 =	sgt.s32 s18, $0x0;
	s21 =	smov.u32 s18;
	v1 =	vsel vm1, $0xFFFFFFFF, v1  }
0x63: {  	s21 =	simm.s32 @!p1 $0x0;
	v2 =	vsel vm1, $0xFFF3CA00, v2;
	v3 =	vshll.u32 v1, $0x2  }
0x64: {  	s21 =	smin.u32 s21, $0x10;
	v3 =	vand.u32 $0xFFFFFE00, v3  }
0x65: {  	v1 =	vand.u32 $0x7F, v1;
	v2 =	vadd.s32 v2, v3;
	v3 =	vmov s21  }
0x66: {  	v1 =	vor.u32 v1, v2;
	vm1 =	vgt.u32 v3, v0  }
0x67: {  	v2 =	vnsel vm1, $0x7FFFFFFF, v1;
	v3 =	vor.u32 $0x80, v1;
	v4 =	vor.u32 $0x100, v1  }
0x68: {  	v1 =	vor.u32 $0x180, v1  }
0x69: {  	s21 =	sand.u32 $0x3E00, s16;
	s16 =	smov.u32 s22  }
0x6a: {  	s22 =	sand.u32 $0x70, s17;
	s21 =	sadd.s32 s21, s14;
	v3 =	vnsel vm1, $0x7FFFFFFF, v3  }
0x6b: {  	s21 =	sadd.s32 s22, s21;
	(ifvalue) =	ssetifvalue $0x7FFFFFFF  }
0x6c: {  	[tilespmem:s21], [sflag:$0x1] =	stream.indirect_vreg.gather [hbm4b:s3+s10], $0x1, v2, vm0, $0x4038;
	[tilespmem:$0x7D00] =	vst v63  }
0x6d: {  	v2 =	vnsel vm1, $0x7FFFFFFF, v4;
	(ifvalue) =	ssetifvalue $0x7FFFFFFF  }
0x6e: {  	s22 =	sadd.s32 $0x80, s21;
	(ifvalue) =	ssetifvalue $0x7FFFFFFF  }
0x6f: {  	[tilespmem:s22], [sflag:$0x1] =	stream.indirect_vreg.gather [hbm4b:s3+s10], $0x1, v3, vm0, $0x4038;
	[tilespmem:$0x7D00] =	vst v63  }
.Ltmp3:
0x70: {  	v1 =	vnsel vm1, $0x7FFFFFFF, v1;
	(ifvalue) =	ssetifvalue $0x7FFFFFFF;
	(pc) =	sbr.rel @p0 .LBB2_3-.Ltmp3, $4  }
0x71: {  	s22 =	sadd.s32 $0x100, s21;
	(ifvalue) =	ssetifvalue $0x7FFFFFFF  }
0x72: {  	[tilespmem:s22], [sflag:$0x1] =	stream.indirect_vreg.gather [hbm4b:s3+s10], $0x1, v2, vm0, $0x4038;
	[tilespmem:$0x7D00] =	vst v63  }
0x73: {  	s18 =	sadd.s32 $0xFFFFFFF0, s18;
	s17 =	sadd.s32 $0x10, s17;
	(ifvalue) =	ssetifvalue $0x7FFFFFFF  }
0x74: {  	s22 =	sadd.s32 $0x180, s21;
	s21 =	smov.u32 s20;
	(ifvalue) =	ssetifvalue $0x7FFFFFFF  }
.Ltmp4:
0x75: {  	_ = 	snop;
	(pc) =	sbr.rel .LBB2_4-.Ltmp4, $1  }
0x76: {  	_ =	sdelay $0x3  }
.LBB2_6:
0x77: {  	_ =	sfence.sel $0x180000  }
0x78: {  	s2 =	simm.s32 $0x2;
	[bflag:$0x0] =	sbarrier.arrive $0xFFFF  }
0x79: {  	s30 =	simm.s32 $0x3;
	[sflag:s2] =	ssyncpa.u1 $0x1  }
0x7a: {  	s31 =	simm.s32 $0x1;
	[sflag:s30] =	ssyncpa.u1 $0x1  }
0x7b: {  	[sflag:s31] =	ssyncpa.u1 $0x1  }
0x7c: {  	p0 =	sne.s32 s0, $0x0;
	_ =	strace $0x9000004D  }
0x7d: {  	s0 =	sadd.s32 @!p0 $0x100000, s1;
	[bflag:$0x2] =	sbarrier.arrive $0xFFFF  }
0x7e: {  	[sflag:s0] =	ssyncadd.tile.s32 @!p0 $0x1;
	_ =	shalt  }
.Lfunc_end2:
_tile_overlayer_lowered:
.L_overlay_start_2:
0x7f: {  	(tag) =	ssettag $0x2  }
0x80: {  	s0 =	rddreg [dreg:$0x0];
	s2 =	stileid.u32  }
0x81: {  	s1 =	rddreg [dreg:$0x1];
	p0 =	sne.s32 s2, $0x0  }
0x82: {  	s3 =	rddreg [dreg:$0x2];
	[bflag:$0x3] =	sbarrier.arrive $0xFFFF;
	s2 =	simm.s32 @!p0 $0x1C01  }
0x83: {  	[timem:s3], [sflag:s2] =	dma.local @!p0 [hbm:s0], s1  }
0x84: {  	s0 =	simm.s32 @!p0 $0x1  }
0x85: {  	_ =	swait.ge @!p0 [sflag:s0], s1  }
0x86: {  	s1 =	ssub.s32 @!p0 $0x0, s1;
	[sflag:s0] =	ssyncset.done @!p0 $0x0  }
0x87: {  	[sflag:s0] =	ssyncadd.s32 @!p0 s1  }
0x88: {  	[bflag:$0x3] =	sbarrier.arrive $0xFFFF  }
0x89: {  	_ =	shalt  }

// kernel: gather_offload_async_start
scs
__scs_entry_jumppad:
0x0: {  	(pc) =	sbr.rel $0x88, $3  }
0x1: {  	(tag) =	ssettag $0x0;
	lr =	simm.s32 $0x1  }
0x2: {  	[smem:$0x3F9A] =	sst lr;
	_ =	strace $0xD0000000  }
0x3: {  	_ = 	snop  }
0x4: {  	_ = 	snop  }
0x5: {  	_ = 	snop  }
0x6: {  	_ = 	snop  }
0x7: {  	_ = 	snop  }
__scs_overlays_trampoline_lowered:
0x8: {  	[smem:$0x3FA9] =	sst s0  }
0x9: {  	[smem:$0x3FAA] =	sst s1  }
0xa: {  	[smem:$0x3FAB] =	sst s2  }
0xb: {  	[smem:$0x3FAC] =	sst s3  }
0xc: {  	[smem:$0x3FAD] =	sst s4  }
0xd: {  	[smem:$0x3FAE] =	sst s5  }
0xe: {  	[smem:$0x3FAF] =	sst s6  }
0xf: {  	[smem:$0x3FB0] =	sst s7  }
0x10: {  	[smem:$0x3FB1] =	sst s8  }
0x11: {  	[smem:$0x3FB2] =	sst s9;
	s0 =	simm.s32 @!p0 $0x0  }
0x12: {  	s1 =	sld [smem:$0x3F98];
	s0 =	simm.s32 @p0 $0x1  }
0x13: {  	[smem:$0x3FB3] =	sst s0;
	s0 =	simm.s32 @!p1 $0x0  }
0x14: {  	s2 =	sld [smem:$0x3F97];
	s0 =	simm.s32 @p1 $0x1  }
0x15: {  	[smem:$0x3FB4] =	sst s0;
	s0 =	simm.s32 @!p2 $0x0  }
0x16: {  	s3 =	sld [smem:$0x3FDB];
	s0 =	simm.s32 @p2 $0x1  }
0x17: {  	s4 =	simm.s32 $0x1BF5;
	[smem:$0x3FB6] =	sst s0  }
0x18: {  	s0 =	sld [smem:$0x3F99];
	_ =	swait.ge [sflag:s4], $0x0  }
0x19: {  	s7 =	sld [smem:$0x3F9A]  }
0x1a: {  	s8 =	sadd.s32 $0xFFFFE003, lr  }
0x1b: {  	s9 =	sadd.s32 $0xFFFFFEF7, lr;
	s5 =	simm.s32 $0xFFFFFFFF;
	p2 =	slt.u32 s8, $0xFFFFF086  }
0x1c: {  	p1 =	slt.u32 s9, $0xF7A;
	s5 =	simm.s32 @!p2 $0x0  }
0x1d: {  	s5 =	simm.s32 @p1 $0x1;
	p0 =	seq.s32 s7, s2  }
0x1e: {  	s7 =	smul.u32 @!p0 $0xF7A, s2;
	p2 =	seq.s32 @!p0 s5, $0x0  }
0x1f: {  	s9 =	smul.u32 $0xF7A, s1;
	s8 =	simm.s32 @!p0 $0x1BF5;
	p2 =	por !p2, p0  }
0x20: {  	[sflag:s8] =	ssyncset.s32 @!p0 $0xFFFFF086;
	s6 =	sadd.s32 @!p0 s3, s7;
	s7 =	simm.s32 @!p0 $0x108  }
0x21: {  	s3 =	sadd.s32 s3, s9;
	s6 =	sadd.s32 @!p0 $0x88, s6;
	s7 =	simm.s32 @p2 $0x1082  }
0x22: {  	[simem:s7], [sflag:s8] =	dma.local @!p0 [hbm:s6], $0xF7A  }
0x23: {  	s9 =	sor.u32 $0xD0000000, s2;
	s6 =	simm.s32 $0x108;
	_ =	swait.ge @!p0 [sflag:s8], $0x0  }
0x24: {  	s3 =	sadd.s32 $0x88, s3;
	s6 =	simm.s32 @!p1 $0x1082;
	[sflag:s4] =	ssyncset.s32 $0xFFFFF086  }
0x25: {  	[simem:s6], [sflag:s4] =	dma.local [hbm:s3], $0xF7A  }
0x26: {  	[smem:$0x3F9A] =	sst s1;
	(tag) =	ssettag s2;
	_ =	strace s9  }
0x27: {  	s1 =	sld [smem:$0x3FAA]  }
0x28: {  	s2 =	sld [smem:$0x3FAB]  }
0x29: {  	s4 =	sld [smem:$0x3FAD]  }
0x2a: {  	p0 =	seq.s32 s5, $0x0;
	s5 =	sld [smem:$0x3FAE]  }
0x2b: {  	s6 =	sld [smem:$0x3FAF]  }
0x2c: {  	s7 =	sld [smem:$0x3FB0]  }
0x2d: {  	s3 =	simm.s32 $0x108;
	s8 =	sld [smem:$0x3FB1]  }
0x2e: {  	s3 =	simm.s32 @!p0 $0x1082;
	s9 =	sld [smem:$0x3FB2]  }
0x2f: {  	lr =	sadd.s32 s0, s3;
	s0 =	sld [smem:$0x3FA9]  }
0x30: {  	s3 =	sld [smem:$0x3FAC]  }
0x31: {  	[smem:$0x3FB5] =	sst s10  }
0x32: {  	s10 =	sld [smem:$0x3FB3];
	_ =	sdelay $0x3  }
0x33: {  	p0 =	seq.s32 s10, $0x1;
	s10 =	sld [smem:$0x3FB5];
	_ =	sdelay $0x3  }
0x34: {  	[smem:$0x3FB5] =	sst s10  }
0x35: {  	s10 =	sld [smem:$0x3FB4];
	_ =	sdelay $0x3  }
0x36: {  	p1 =	seq.s32 s10, $0x1;
	s10 =	sld [smem:$0x3FB5];
	_ =	sdelay $0x3  }
0x37: {  	[smem:$0x3FB5] =	sst s10  }
0x38: {  	s10 =	sld [smem:$0x3FB6]  }
0x39: {  	_ = 	snop;
	(pc) =	sbr.ind lr, $3  }
0x3a: {  	_ = 	snop  }
0x3b: {  	_ = 	snop  }
0x3c: {  	p2 =	seq.s32 s10, $0x1;
	s10 =	sld [smem:$0x3FB5]  }
0x3d: {  	_ =	shalt  }
0x3e: {  	_ =	shalt  }
0x3f: {  	_ =	shalt  }
0x40: {  	_ =	shalt  }
0x41: {  	_ =	shalt  }
0x42: {  	_ =	shalt  }
0x43: {  	_ =	shalt  }
0x44: {  	_ =	shalt  }
0x45: {  	_ =	shalt  }
0x46: {  	_ =	shalt  }
0x47: {  	_ =	shalt  }
0x48: {  	_ =	shalt  }
0x49: {  	_ =	shalt  }
0x4a: {  	_ =	shalt  }
0x4b: {  	_ =	shalt  }
0x4c: {  	_ =	shalt  }
0x4d: {  	_ =	shalt  }
0x4e: {  	_ =	shalt  }
0x4f: {  	_ =	shalt  }
0x50: {  	_ =	shalt  }
0x51: {  	_ =	shalt  }
0x52: {  	_ =	shalt  }
0x53: {  	_ =	shalt  }
0x54: {  	_ =	shalt  }
0x55: {  	_ =	shalt  }
0x56: {  	_ =	shalt  }
0x57: {  	_ =	shalt  }
0x58: {  	_ =	shalt  }
0x59: {  	_ =	shalt  }
0x5a: {  	_ =	shalt  }
0x5b: {  	_ =	shalt  }
0x5c: {  	_ =	shalt  }
0x5d: {  	_ =	shalt  }
0x5e: {  	_ =	shalt  }
0x5f: {  	_ =	shalt  }
0x60: {  	_ =	shalt  }
0x61: {  	_ =	shalt  }
0x62: {  	_ =	shalt  }
0x63: {  	_ =	shalt  }
0x64: {  	_ =	shalt  }
0x65: {  	_ =	shalt  }
0x66: {  	_ =	shalt  }
0x67: {  	_ =	shalt  }
0x68: {  	_ =	shalt  }
0x69: {  	_ =	shalt  }
0x6a: {  	_ =	shalt  }
0x6b: {  	_ =	shalt  }
0x6c: {  	_ =	shalt  }
0x6d: {  	_ =	shalt  }
0x6e: {  	_ =	shalt  }
0x6f: {  	_ =	shalt  }
0x70: {  	_ =	shalt  }
0x71: {  	_ =	shalt  }
0x72: {  	_ =	shalt  }
0x73: {  	_ =	shalt  }
0x74: {  	_ =	shalt  }
0x75: {  	_ =	shalt  }
0x76: {  	_ =	shalt  }
0x77: {  	_ =	shalt  }
0x78: {  	_ =	shalt  }
0x79: {  	_ =	shalt  }
0x7a: {  	_ =	shalt  }
0x7b: {  	_ =	shalt  }
0x7c: {  	_ =	shalt  }
0x7d: {  	_ =	shalt  }
0x7e: {  	_ =	shalt  }
0x7f: {  	_ =	shalt  }
0x80: {  	_ =	shalt  }
0x81: {  	_ =	shalt  }
0x82: {  	_ =	shalt  }
0x83: {  	_ =	shalt  }
0x84: {  	_ =	shalt  }
0x85: {  	_ =	shalt  }
0x86: {  	_ =	shalt  }
0x87: {  	_ =	shalt  }
.Lfunc_end0:
.L_simem_size_0:
called_computation_lowered:
.L_overlay_start_0:
0x88: {  	s2 =	sld [smem:$0x3FD9]  }
0x89: {  	s3 =	sld [smem:$0x3FFE];
	_ =	sdelay $0x1  }
0x8a: {  	s1 =	srdreg.scid  }
0x8b: {  	s0 =	sand.u32 $0x1, s1  }
0x8c: {  	s14 =	sshll.u32 s0, $0xA;
	s2 =	sadd.s32 s3, s2  }
0x8d: {  	s2 =	sadd.s32 s2, s14  }
0x8e: {  	[smem:$0x3FC1] =	sst s2  }
0x8f: {  	_ = 	snop  }
0x90: {  	s2 =	sld [smem:$0x3FD0];
	_ =	sdelay $0x2  }
0x91: {  	s15 =	simm.s32 $0xA;
	s4 =	simm.s32 $0x10  }
0x92: {  	[smem:s4], [sflag:s15] =	dma.local [hbm:s2], $0x1  }
0x93: {  	_ =	swait.eq [sflag:s15], $0x1  }
0x94: {  	[sflag:s15] =	ssyncset.done $0x0  }
0x95: {  	[sflag:s15] =	ssyncadd.s32 $0xFFFFFFFF  }
0x96: {  	s16 =	sld [smem:$0x10];
	(tm) =	ssettm $0x1  }
0x97: {  	s17 =	sld [smem:$0x3FFB];
	_ =	sdelay $0x3  }
0x98: {  	_ =	strace s17  }
0x99: {  	s3 =	sld [smem:$0x3FFC];
	_ =	sdelay $0x3  }
0x9a: {  	_ =	strace s3  }
0x9b: {  	s3 =	sld [smem:$0x3FFD];
	_ =	sdelay $0x3  }
0x9c: {  	_ =	strace s3  }
0x9d: {  	_ =	strace $0x8FFFFFFF  }
0x9e: {  	s18 =	sld [smem:$0x3FDB];
	_ =	sdelay $0x1  }
0x9f: {  	s19 =	simm.s32 $_scs_section_size  }
0xa0: {  	s5 =	simm.s32 $_size__tile_overlayer_lowered;
	s6 =	simm.s32 $_tile_overlayer_lowered  }
0xa1: {  	s22 =	simm.s32 $0x1BFF;
	s21 =	sshll.u32 s6, $0x1;
	s3 =	sadd.s32 s19, s18  }
0xa2: {  	s7 =	simm.s32 $0x0;
	s20 =	sshll.u32 s5, $0x1;
	s5 =	sadd.s32 s21, s3  }
0xa3: {  	[timem:s7], [sflag:s22] =	dma.local [hbm:s5], s20  }
0xa4: {  	_ =	swait.ge [sflag:s22], s20  }
0xa5: {  	s4 =	ssub.s32 $0x0, s20;
	[sflag:s22] =	ssyncset.done $0x0  }
0xa6: {  	[sflag:s22] =	ssyncadd.s32 s4;
	_ =	sdelay $0x1  }
0xa7: {  	s23 =	simm.s32 $0x1B8B  }
0xa8: {  	_ =	swait.ge [sflag:s23], $0x1  }
0xa9: {  	[sflag:s23] =	ssyncset.done $0x0  }
0xaa: {  	s25 =	simm.s32 $0x1B8E;
	s24 =	sld [smem:$0x3FFE];
	[sflag:s23] =	ssyncadd.s32 $0xFFFFFFFF  }
0xab: {  	s26 =	simm.s32 $execute0_lowered;
	[smem:$0x3FD2] =	sst s25  }
0xac: {  	s5 =	sshll.u32 s26, $0x1;
	_ =	strace $0x8000004F;
	[dreg:$0x1] =	wrdreg $0xFFFFFFFF  }
0xad: {  	s28 =	simm.s32 $_size_execute0_lowered;
	s3 =	sadd.s32 s3, s5;
	[dreg:$0x0] =	wrdreg $0x0  }
0xae: {  	s5 =	sshll.u32 s28, $0x1;
	[dreg:$0x2] =	wrdreg s3  }
0xaf: {  	[dreg:$0x3] =	wrdreg s5  }
0xb0: {  	[dreg:$0x4] =	wrdreg $0xC0  }
0xb1: {  	_ =	task [dreg:s7], $0x5FFFF  }
0xb2: {  	[dreg:$0x1] =	wrdreg $0xFFFFFFFF  }
0xb3: {  	[dreg:$0x0] =	wrdreg $0x60  }
0xb4: {  	[dreg:$0x2] =	wrdreg s24  }
0xb5: {  	[dreg:$0x3] =	wrdreg s16  }
0xb6: {  	[dreg:$0x4] =	wrdreg $0x9  }
0xb7: {  	_ =	task.clear_ibuf [dreg:s7], $0x5FFFF;
	_ =	strace $0x9000004F  }
0xb8: {  	s29 =	simm.s32 $0x9;
	_ =	strace $0x80000051  }
0xb9: {  	_ =	swait.ge [sflag:s29], $0x1  }
0xba: {  	[sflag:s29] =	ssyncadd.s32 $0xFFFFFFFF  }
0xbb: {  	_ =	strace $0x90000051  }
0xbc: {  	_ =	sfence  }
0xbd: {  	s30 =	sld [smem:$0x0];
	_ =	sdelay $0x2  }
0xbe: {  	s31 =	sshll.u32 s1, $0xD;
	s1 =	sshrl.u32 s1, $0x2  }
0xbf: {  	s3 =	sand.u32 $0x4000, s31;
	s1 =	sadd.s32 s1, s30  }
0xc0: {  	s0 =	sor.u32 s3, s0;
	s1 =	sshll.u32 s1, $0x11  }
0xc1: {  	s0 =	sor.u32 s1, s0  }
0xc2: {  	s0 =	sadd.s32 $0x8F2B, s0  }
0xc3: {  	[sflag:s0] =	ssyncadd.remote.s32 $0x1  }
0xc4: {  	_ =	sfence.sel $0xFFFF  }
0xc5: {  	[dreg:$0x0] =	wrdreg $0xFFFFFFFF;
	(pc) =	sbr.abs _section_cstart, $3  }
0xc6: {  	[dreg:$0x1] =	wrdreg $0xFFFFFFFF  }
0xc7: {  	_ =	task.clear_ibuf [dreg:s7], $0x2FFFF;
	_ =	strace $0x9FFFFFFF  }
0xc8: {  	(tm) =	ssettm $0x7FFFFFFF  }
0xc9: {  	_ =	shalt  }
tec
execute0_lowered:
.L_overlay_start_1:
0x0: {  	(tag) =	ssettag $0x1  }
0x1: {  	s8 =	rddreg [dreg:$0x0];
	s0 =	stileid.u32  }
0x2: {  	s1 =	srdreg.scid;
	s2 =	rddreg [dreg:$0x1]  }
0x3: {  	s5 =	simm.s32 $0x1;
	s9 =	simm.s32 $0x1;
	s10 =	simm.s32 $0x3  }
0x4: {  	s13 =	simm.s32 $0x0;
	s3 =	sand.u32 $0x1, s1;
	s4 =	sshll.u32 s0, $0x1  }
0x5: {  	s12 =	simm.s32 $0x0;
	s1 =	rddreg [dreg:$0x2];
	s6 =	sor.u32 s4, s3  }
0x6: {  	_ =	strace $0x80000050;
	s3 =	sadd.s32 $0x3CA00, s8;
	s4 =	smul.u32 $0x4E20, s6  }
0x7: {  	[sflag:s5] =	ssyncpa.u1 $0x0;
	p0 =	slt.u32 s6, $0x9;
	s6 =	simm.s32 $0x9C400  }
.Ltmp0:
0x8: {  	s6 =	simm.s32 @!p0 $0x0;
	s7 =	ssub.s32 $0xC3500, s4;
	(pc) =	sbr.rel .LBB2_1-.Ltmp0, $4  }
0x9: {  	s9 =	simm.s32 @!p0 $0x0;
	p0 =	sne.s32 s7, s6;
	s7 =	simm.s32 $0x1  }
0xa: {  	s8 =	sadd.s32 $0x86200, s8;
	s6 =	simm.s32 $0x2;
	s7 =	simm.s32 @!p0 $0x0  }
0xb: {  	s11 =	smov.u32 s4;
	[sflag:s6] =	ssyncpa.u1 $0x0;
	s7 =	sadd.s32 s9, s7  }
0xc: {  	vm0 =	vmmov $0xffff;
	[sflag:s10] =	ssyncpa.u1 $0x0;
	s10 =	simm.s32 $0x0;
	s9 =	sadd.s32 $0x1, s7  }
.LBB2_4:
0xd: {  	vm1 =	veq.s32 v4, $0x80000000;
	v56 =	vand.u32 $0x3, v4;
	v6 =	vand.u32 $0x3FFFF, v6  }
0xe: {  	v2 =	vor.u32 v2, v5;
	v59 =	vshrl.u32 v1, $0x2;
	v60 =	vand.u32 $0x3, v1  }
0xf: {  	v4 =	vsel vm1, $0xFFFFFFFF, v56;
	v6 =	vsel vm1, $0xFFFFFFFF, v6;
	v2 =	vor.u32 v3, v2  }
0x10: {  	vm1 =	veq.s32 v1, $0x80000000;
	v5 =	vand.u32 $0x3FFFF, v59;
	v7 =	vshrl.u32 v4, $0x2  }
0x11: {  	v57 =	vshll.u32 v6, $0x2;
	v4 =	vshll.u32 v4, $0x7;
	v1 =	vsel vm1, $0xFFFFFFFF, v60  }
0x12: {  	v5 =	vsel vm1, $0xFFFFFFFF, v5;
	v6 =	vand.u32 $0x7F, v6;
	v7 =	vmul.u32 $0xC3600, v7  }
0x13: {  	v58 =	vand.u32 $0xFFFFFE00, v57;
	v4 =	vand.u32 $0x180, v4;
	v61 =	vshrl.u32 v1, $0x2  }
0x14: {  	v62 =	vshll.u32 v5, $0x2;
	v3 =	vadd.s32 v7, v58;
	v7 =	vmul.u32 $0xC3600, v61  }
0x15: {  	v1 =	vshll.u32 v1, $0x7;
	v3 =	vor.u32 v4, v3;
	v4 =	vand.u32 $0xFFFFFE00, v62  }
0x16: {  	v1 =	vand.u32 $0x180, v1;
	v3 =	vor.u32 v6, v3;
	v4 =	vadd.s32 v7, v4  }
0x17: {  	[tilespmem:s16], [sflag:$0x1] =	stream.indirect_vreg.gather [hbm4b:s3+s10], $0x1, v0, vm0, $0x4038;
	v63 =	vand.u32 $0x7F, v5;
	v1 =	vor.u32 v1, v4;
	[tilespmem:$0x13880] =	vst v63  }
0x18: {  	s15 =	sadd.s32 $0x10, s15;
	(ifvalue) =	ssetifvalue $0x7FFFFFFF;
	v0 =	vor.u32 v63, v1  }
0x19: {  	[tilespmem:s15], [sflag:$0x1] =	stream.indirect_vreg.gather [hbm4b:s3+s10], $0x1, v2, vm0, $0x4038;
	[tilespmem:$0x13880] =	vst v63  }
0x1a: {  	s15 =	sadd.s32 $0x10, s15;
	(ifvalue) =	ssetifvalue $0x7FFFFFFF  }
0x1b: {  	[tilespmem:s15], [sflag:$0x1] =	stream.indirect_vreg.gather [hbm4b:s3+s10], $0x1, v3, vm0, $0x4038;
	[tilespmem:$0x13880] =	vst v63  }
0x1c: {  	s15 =	sadd.s32 $0x10, s15;
	(ifvalue) =	ssetifvalue $0x7FFFFFFF  }
0x1d: {  	[tilespmem:s15], [sflag:$0x1] =	stream.indirect_vreg.gather [hbm4b:s3+s10], $0x1, v0, vm0, $0x4038;
	[tilespmem:$0x13880] =	vst v63  }
0x1e: {  	_ =	swait.ge [sflag:s5], $0x4E20  }
0x1f: {  	s30 =	sshrl.u32 s13, $0x3;
	[sflag:s5] =	ssyncset.done $0x0  }
0x20: {  	s31 =	sand.u32 $0x7, s13;
	s15 =	sadd.s32 s8, s30;
	[sflag:s5] =	ssyncadd.s32 $0xFFFFB1E0  }
0x21: {  	[hbm4b:s15+s31] =	stream.linear.scatter [tilespmem:s14], [sflag:$0x3], $0x4E20, $0x38;
	[tilespmem:$0x13880] =	vst v63  }
.LBB2_5:
0x22: {  	s15 =	sadd.s32 $0x9C400, s11  }
0x23: {  	p1 =	sgt.s32 s15, $0xC34FF  }
0x24: {  	s15 =	smov.u32 @p1 s4;
	p1 =	sne.s32 s12, s9  }
.Ltmp1:
0x25: {  	p0 =	slt.u32 s12, $0x2;
	(pc) =	sbr.rel @!p1 .LBB2_6-.Ltmp1, $4  }
0x26: {  	s14 =	simm.s32 @!p0 $0x3  }
0x27: {  	_ =	swait.ge @!p0 [sflag:s14], $0x4E20  }
0x28: {  	s16 =	sadd.s32 $0x1, s12;
	s13 =	smov.u32 s11;
	[sflag:s14] =	ssyncset.done @!p0 $0x0  }
0x29: {  	s12 =	smov.u32 s16;
	s11 =	smov.u32 s15;
	[sflag:s14] =	ssyncadd.s32 @!p0 $0xFFFFB1E0  }
.LBB2_1:
0x2a: {  	p0 =	sge.u32 s12, s7  }
0x2b: {  	s14 =	sxor.u32 @!p0 $0x1, s12  }
0x2c: {  	s14 =	smul.u32 @!p0 $0x13880, s14  }
0x2d: {  	s31 =	sadd.s32 $0xFFFFFFFF, s12;
	s15 =	sshrl.u32 @!p0 s11, $0x3  }
0x2e: {  	s16 =	sand.u32 @!p0 $0x7, s11;
	s15 =	sadd.s32 @!p0 s2, s15;
	s14 =	sshra.s32 @!p0 s14, $0x2  }
0x2f: {  	[tilespmem:s14], [sflag:$0x2] =	stream.linear.gather @!p0 [hbm4b:s15+s16], $0x4E20, $0x38;
	[tilespmem:$0x13880] =	vst v63  }
0x30: {  	p0 =	sge.u32 s31, s7  }
.Ltmp2:
0x31: {  	_ = 	snop;
	(pc) =	sbr.rel @p0 .LBB2_5-.Ltmp2, $1  }
0x32: {  	_ =	sdelay $0x3  }
0x33: {  	s14 =	sand.u32 $0x1, s12  }
0x34: {  	_ =	swait.ge [sflag:s6], $0x4E20;
	p0 =	seq.s32 s14, $0x1;
	s14 =	simm.s32 $0x4E20  }
0x35: {  	[sflag:s6] =	ssyncset.done $0x0;
	s14 =	simm.s32 @!p0 $0x0  }
0x36: {  	[sflag:s6] =	ssyncadd.s32 $0xFFFFB1E0;
	(ifvalue) =	ssetifvalue $0x7FFFFFFF;
	v0 =	vld.msk [tilespmem:s14+$0x0 ss:$0x1], $0xffff  }
0x37: {  	s15 =	sadd.s32 $0x10, s14  }
0x38: {  	v1 =	vld.msk [tilespmem:s15+$0x0 ss:$0x1], $0xffff;
	_ =	sdelay $0x2  }
0x39: {  	v2 =	vshrl.u32 v0, $0x2  }
0x3a: {  	vm1 =	veq.s32 v0, $0x80000000;
	v0 =	vand.u32 $0x3, v0;
	v2 =	vand.u32 $0x3FFFF, v2  }
0x3b: {  	v0 =	vsel vm1, $0xFFFFFFFF, v0;
	v6 =	vshrl.u32 v1, $0x2;
	v2 =	vsel vm1, $0xFFFFFFFF, v2  }
0x3c: {  	v3 =	vshrl.u32 v0, $0x2;
	v0 =	vshll.u32 v0, $0x7;
	vm1 =	veq.s32 v1, $0x80000000  }
0x3d: {  	s15 =	sadd.s32 $0x10, s15;
	v1 =	vand.u32 $0x3, v1;
	v4 =	vshll.u32 v2, $0x2;
	v3 =	vmul.u32 $0xC3600, v3  }
0x3e: {  	v0 =	vand.u32 $0x180, v0;
	v7 =	vand.u32 $0x7F, v2;
	v5 =	vand.u32 $0xFFFFFE00, v4;
	v4 =	vld.msk [tilespmem:s15+$0x0 ss:$0x1], $0xffff  }
0x3f: {  	v1 =	vsel vm1, $0xFFFFFFFF, v1;
	v2 =	vadd.s32 v3, v5;
	v3 =	vand.u32 $0x3FFFF, v6  }
0x40: {  	v3 =	vsel vm1, $0xFFFFFFFF, v3;
	v0 =	vor.u32 v0, v2;
	v2 =	vshrl.u32 v1, $0x2  }
0x41: {  	v1 =	vshll.u32 v1, $0x7;
	v5 =	vshll.u32 v3, $0x2;
	v8 =	vmul.u32 $0xC3600, v2  }
0x42: {  	s18 =	simm.s32 $0x30;
	s14 =	sadd.s32 $0x9C40, s14;
	s17 =	sadd.s32 $0x10, s15;
	v2 =	vand.u32 $0x180, v1;
	v0 =	vor.u32 v7, v0;
	v5 =	vand.u32 $0xFFFFFE00, v5  }
0x43: {  	s16 =	smov.u32 s14;
	s15 =	smov.u32 s14;
	v1 =	vld.msk [tilespmem:s17+$0x0 ss:$0x1], $0xffff;
	v3 =	vand.u32 $0x7F, v3;
	(ifvalue) =	ssetifvalue $0x7FFFFFFF;
	v6 =	vshrl.u32 v4, $0x2;
	v5 =	vadd.s32 v8, v5  }
.LBB2_3:
0x44: {  	s18 =	sadd.s32 $0x10, s18  }
0x45: {  	vm1 =	veq.s32 v4, $0x80000000;
	v4 =	vand.u32 $0x3, v4;
	v6 =	vand.u32 $0x3FFFF, v6;
	s15 =	sadd.s32 $0x10, s15;
	p0 =	slt.u32 s18, $0x4E10  }
.Ltmp3:
0x46: {  	v5 =	vor.u32 v2, v5;
	v4 =	vsel vm1, $0xFFFFFFFF, v4;
	v7 =	vsel vm1, $0xFFFFFFFF, v6;
	(pc) =	sbr.rel @p0 .LBB2_3-.Ltmp3, $4  }
0x47: {  	v2 =	vshrl.u32 v4, $0x2;
	v6 =	vshll.u32 v7, $0x2;
	v4 =	vshll.u32 v4, $0x7;
	[tilespmem:s16], [sflag:$0x1] =	stream.indirect_vreg.gather [hbm4b:s3+s10], $0x1, v0, vm0, $0x4038;
	[tilespmem:$0x13880] =	vst v63  }
0x48: {  	v0 =	vor.u32 v3, v5;
	s16 =	smov.u32 s15;
	v8 =	vmul.u32 $0xC3600, v2;
	v2 =	vand.u32 $0x180, v4  }
0x49: {  	s17 =	sadd.s32 $0x10, s17;
	v9 =	vand.u32 $0xFFFFFE00, v6  }
0x4a: {  	v3 =	vand.u32 $0x7F, v7;
	v6 =	vshrl.u32 v1, $0x2;
	v5 =	vadd.s32 v8, v9;
	(ifvalue) =	ssetifvalue $0x7FFFFFFF;
	v4 =	vmovc v1;
	v1 =	vld.msk [tilespmem:s17+$0x0 ss:$0x1], $0xffff  }
.Ltmp4:
0x4b: {  	_ = 	snop;
	(pc) =	sbr.rel .LBB2_4-.Ltmp4, $1  }
0x4c: {  	_ =	sdelay $0x3  }
.LBB2_6:
0x4d: {  	_ =	sfence.sel $0x180000  }
0x4e: {  	s2 =	simm.s32 $0x2;
	[bflag:$0x0] =	sbarrier.arrive $0xFFFF  }
0x4f: {  	s30 =	simm.s32 $0x3;
	[sflag:s2] =	ssyncpa.u1 $0x1  }
0x50: {  	s31 =	simm.s32 $0x1;
	[sflag:s30] =	ssyncpa.u1 $0x1  }
0x51: {  	[sflag:s31] =	ssyncpa.u1 $0x1  }
0x52: {  	p0 =	sne.s32 s0, $0x0;
	_ =	strace $0x90000050  }
0x53: {  	s0 =	sadd.s32 @!p0 $0x100000, s1;
	[bflag:$0x2] =	sbarrier.arrive $0xFFFF  }
0x54: {  	[sflag:s0] =	ssyncadd.tile.s32 @!p0 $0x1;
	_ =	shalt  }
.Lfunc_end2:
_tile_overlayer_lowered:
.L_overlay_start_2:
0x55: {  	(tag) =	ssettag $0x2  }
0x56: {  	s0 =	rddreg [dreg:$0x0];
	s2 =	stileid.u32  }
0x57: {  	s1 =	rddreg [dreg:$0x1];
	p0 =	sne.s32 s2, $0x0  }
0x58: {  	s3 =	rddreg [dreg:$0x2];
	[bflag:$0x3] =	sbarrier.arrive $0xFFFF;
	s2 =	simm.s32 @!p0 $0x1C01  }
0x59: {  	[timem:s3], [sflag:s2] =	dma.local @!p0 [hbm:s0], s1  }
0x5a: {  	s0 =	simm.s32 @!p0 $0x1  }
0x5b: {  	_ =	swait.ge @!p0 [sflag:s0], s1  }
0x5c: {  	s1 =	ssub.s32 @!p0 $0x0, s1;
	[sflag:s0] =	ssyncset.done @!p0 $0x0  }
0x5d: {  	[sflag:s0] =	ssyncadd.s32 @!p0 s1  }
0x5e: {  	[bflag:$0x3] =	sbarrier.arrive $0xFFFF  }
0x5f: {  	_ =	shalt  }

</sc_bundles>
